<compile_context>
chip_gen: v7x
topology: tpu7x:2x2x1
jax: 0.10.2.dev20260603
libtpu: 0.0.44.dev20260713+nightly
codegen_flags: <defaults>
</compile_context>

<pallas_src>
import functools

import jax
import jax.numpy as jnp
from jax import lax
from jax.experimental import pallas as pl
from jax.experimental.pallas import tpu as pltpu
from jax.experimental.pallas import tpu_sc as plsc

N = 10000
D = 128
E1 = 160000
NNZ = 320000

NC = 2
NS = 16
NT = NC * NS
CH = 128

NCH = 79
NNZ_PAD = NT * NCH * CH

NACC = NS * 640
TRASH = N + 16

EB = 8192
NB = 20
EP = EB * NB
ECH = 8

_f32 = jnp.float32
_i32 = jnp.int32


def _pad_to(a, n, fill):
    return jnp.concatenate([a, jnp.full((n - a.shape[0],), fill, a.dtype)])



def _mm2_body(x_ref, w1_ref, w2_ref, y1_ref, y2_ref):
    xb = x_ref[...]
    y1_ref[...] = jnp.dot(xb, w1_ref[...], preferred_element_type=_f32)
    y2_ref[...] = jnp.dot(xb, w2_ref[...], preferred_element_type=_f32)


def _tc_mm2(x, w1, w2):
    bm = 1000
    grid = (N // bm,)
    return pl.pallas_call(
        _mm2_body,
        grid=grid,
        in_specs=[
            pl.BlockSpec((bm, D), lambda i: (i, 0)),
            pl.BlockSpec((D, D), lambda i: (0, 0)),
            pl.BlockSpec((D, D), lambda i: (0, 0)),
        ],
        out_specs=[pl.BlockSpec((bm, D), lambda i: (i, 0))] * 2,
        out_shape=[jax.ShapeDtypeStruct((N, D), _f32)] * 2,
    )(x, w1, w2)


def _sig2mm_body(p_ref, w_ref, o_ref):
    s = jax.nn.sigmoid(p_ref[0] + p_ref[1])
    o_ref[...] = jnp.dot(s, w_ref[...], preferred_element_type=_f32)


def _tc_sig2mm(p, w):
    bm = 1000
    return pl.pallas_call(
        _sig2mm_body,
        grid=(N // bm,),
        in_specs=[
            pl.BlockSpec((2, bm, D), lambda i: (0, i, 0)),
            pl.BlockSpec((D, D), lambda i: (0, 0)),
        ],
        out_specs=pl.BlockSpec((bm, D), lambda i: (i, 0)),
        out_shape=jax.ShapeDtypeStruct((N, D), _f32),
    )(p, w)


def _sigmm_body(e_ref, w_ref, o_ref):
    o_ref[...] = jnp.dot(jax.nn.sigmoid(e_ref[...]), w_ref[...],
                         preferred_element_type=_f32)


def _tc_sigmm(e, w):
    bm = 1024
    return pl.pallas_call(
        _sigmm_body,
        grid=(EP // bm,),
        in_specs=[
            pl.BlockSpec((bm, D), lambda i: (i, 0)),
            pl.BlockSpec((D, D), lambda i: (0, 0)),
        ],
        out_specs=pl.BlockSpec((bm, D), lambda i: (i, 0)),
        out_shape=jax.ShapeDtypeStruct((EP, D), _f32),
    )(e, w)


def _merge_body(pb_ref, pc_ref, o_ref):
    o_ref[...] = jax.nn.sigmoid(pb_ref[0] + pb_ref[1] + pc_ref[0] + pc_ref[1])


def _tc_merge(pb, pc):
    bm = 1000
    return pl.pallas_call(
        _merge_body,
        grid=(N // bm,),
        in_specs=[
            pl.BlockSpec((2, bm, D), lambda i: (0, i, 0)),
            pl.BlockSpec((2, bm, D), lambda i: (0, i, 0)),
        ],
        out_specs=pl.BlockSpec((bm, D), lambda i: (i, 0)),
        out_shape=jax.ShapeDtypeStruct((N, D), _f32),
    )(pb, pc)



_MESH = plsc.VectorSubcoreMesh(core_axis_name="c", subcore_axis_name="s")


def _sc_scatter_body(table_hbm, gidx_hbm, sidx_hbm, zeros_hbm, out_hbm,
                     gv, sv, buf, acc, sem):
    cid = lax.axis_index("c")
    sid = lax.axis_index("s")
    wid = cid * NS + sid
    pltpu.sync_copy(zeros_hbm, acc.at[pl.ds(sid * 640, 640)])
    plsc.subcore_barrier()
    pltpu.sync_copy(gidx_hbm.at[wid], gv)
    pltpu.sync_copy(sidx_hbm.at[wid], sv)

    def chunk(j, carry):
        pltpu.async_copy(table_hbm.at[gv.at[j]], buf, sem).wait()
        pltpu.sync_copy(buf, acc.at[sv.at[j]], add=True)
        return carry

    lax.fori_loop(0, NCH, chunk, 0)
    plsc.subcore_barrier()
    pltpu.sync_copy(acc.at[pl.ds(sid * 640, 640)],
                    out_hbm.at[cid, pl.ds(sid * 640, 640)])


def _sc_scatter(table, gidx, sidx, zeros):
    k = pl.kernel(
        _sc_scatter_body,
        out_type=jax.ShapeDtypeStruct((NC, NACC, D), _f32),
        mesh=_MESH,
        scratch_types=[
            pltpu.VMEM((NCH, CH), _i32),
            pltpu.VMEM((NCH, CH), _i32),
            pltpu.VMEM((CH, D), _f32),
            pltpu.VMEM_SHARED((NACC, D), _f32),
            pltpu.SemaphoreType.DMA,
        ],
    )
    return k(table, gidx, sidx, zeros)


def _sc_edge_body(table_hbm, gidx_hbm, dloc_hbm, zeros_hbm, out_hbm,
                  gv, sv, buf, acc, sem):
    cid = lax.axis_index("c")
    sid = lax.axis_index("s")

    def batch(bi, carry):
        b = bi * NC + cid
        pltpu.sync_copy(zeros_hbm.at[pl.ds(0, 512)],
                        acc.at[pl.ds(sid * 512, 512)])
        plsc.subcore_barrier()
        pltpu.sync_copy(gidx_hbm.at[b, sid], gv)
        pltpu.sync_copy(dloc_hbm.at[b, sid], sv)

        def chunk(j, c2):
            pltpu.async_copy(table_hbm.at[gv.at[j]], buf, sem).wait()
            pltpu.sync_copy(buf, acc.at[sv.at[j]], add=True)
            return c2

        lax.fori_loop(0, ECH, chunk, 0)
        plsc.subcore_barrier()
        pltpu.sync_copy(acc.at[pl.ds(sid * 512, 512)],
                        out_hbm.at[pl.ds(b * EB + sid * 512, 512)])
        return carry

    lax.fori_loop(0, NB // NC, batch, 0)


def _sc_edge(table, gidx, dloc, zeros):
    k = pl.kernel(
        _sc_edge_body,
        out_type=jax.ShapeDtypeStruct((EP, D), _f32),
        mesh=_MESH,
        scratch_types=[
            pltpu.VMEM((ECH, CH), _i32),
            pltpu.VMEM((ECH, CH), _i32),
            pltpu.VMEM((CH, D), _f32),
            pltpu.VMEM_SHARED((EB, D), _f32),
            pltpu.SemaphoreType.DMA,
        ],
    )
    return k(table, gidx, dloc, zeros)



def kernel(x, adj_row, adj_col, inc_node, inc_edge, W1, W2, W3, W4):
    zeros = jnp.zeros((640, D), _f32)

    adj_g = _pad_to(adj_col, NNZ_PAD, 0).reshape(NT, NCH, CH)
    adj_s = _pad_to(adj_row, NNZ_PAD, TRASH).reshape(NT, NCH, CH)
    inc_g = _pad_to(inc_node, 2 * EP, 0).reshape(NB, NS, ECH, CH)
    dloc = ((jnp.arange(2 * EP, dtype=_i32) // 2) % EB).reshape(NB, NS, ECH, CH)
    incf_g = _pad_to(inc_edge, NNZ_PAD, 0).reshape(NT, NCH, CH)
    incf_s = _pad_to(inc_node, NNZ_PAD, TRASH).reshape(NT, NCH, CH)

    y1, y2 = _tc_mm2(x, W1, W2)
    pA = _sc_scatter(y1, adj_g, adj_s, zeros)
    e1 = _sc_edge(y2, inc_g, dloc, zeros)
    z3 = _tc_sig2mm(pA, W3)
    z4 = _tc_sigmm(e1, W4)
    pB = _sc_scatter(z3, adj_g, adj_s, zeros)
    pC = _sc_scatter(z4, incf_g, incf_s, zeros)
    return _tc_merge(pB, pC)

# --- scband reference (transcript-rebuilt; emitter-appended) ---
"""Pipeline reference for scband-hsnlayer-80977313398932 (READ-ONLY COPY).

The authoritative reference and input builder live on the scoring server;
editing this copy changes nothing except your own understanding.
"""

import jax, jax.numpy as jnp
import numpy as np

N = 10000      # n_nodes
D = 128        # channels
NNZ_ADJ = 320000   # nnz of adjacency_matrix_0 (N x N)
E1 = 160000        # number of 1-simplices (edges); incidence_matrix_1 is N x E1
NNZ_INC = 2 * E1   # each edge incident to 2 nodes


def setup_inputs(seed: int = 0) -> dict:
    key = jax.random.key(seed)
    ks = jax.random.split(key, 9)
    x = jax.random.normal(ks[0], (N, D), dtype=jnp.float32)
    # adjacency_matrix_0 sparse pattern (row=dst, col=src), binary values
    adj_row = jax.random.randint(ks[1], (NNZ_ADJ,), 0, N, dtype=jnp.int32)
    adj_col = jax.random.randint(ks[2], (NNZ_ADJ,), 0, N, dtype=jnp.int32)
    # incidence_matrix_1 sparse pattern: (node, edge) pairs, binary values
    inc_node = jax.random.randint(ks[3], (NNZ_INC,), 0, N, dtype=jnp.int32)
    inc_edge = jnp.repeat(jnp.arange(E1, dtype=jnp.int32), 2)
    scale = 1.0 / np.sqrt(D)
    W1 = jax.random.uniform(ks[4], (D, D), minval=-scale, maxval=scale, dtype=jnp.float32)
    W2 = jax.random.uniform(ks[5], (D, D), minval=-scale, maxval=scale, dtype=jnp.float32)
    W3 = jax.random.uniform(ks[6], (D, D), minval=-scale, maxval=scale, dtype=jnp.float32)
    W4 = jax.random.uniform(ks[7], (D, D), minval=-scale, maxval=scale, dtype=jnp.float32)
    return {"x": x, "adj_row": adj_row, "adj_col": adj_col,
            "inc_node": inc_node, "inc_edge": inc_edge,
            "W1": W1, "W2": W2, "W3": W3, "W4": W4}


def _spmm(row, col, y, num_rows):
    # sparse (binary) matrix @ dense: gather rows of y by col, scatter-add into row
    return jax.ops.segment_sum(y[col], row, num_segments=num_rows)


def reference(x, adj_row, adj_col, inc_node, inc_edge, W1, W2, W3, W4):
    # level1 0->0: sigmoid(A0 @ (x @ W1))
    x_nodes_l1 = jax.nn.sigmoid(_spmm(adj_row, adj_col, x @ W1, N))
    # level1 0->1: sigmoid(B1^T @ (x @ W2))  (rows = edges, cols = nodes)
    x_edges_l1 = jax.nn.sigmoid(_spmm(inc_edge, inc_node, x @ W2, E1))
    # level2 0->0: A0 @ (x_nodes_l1 @ W3), no update
    x_nodes_l2 = _spmm(adj_row, adj_col, x_nodes_l1 @ W3, N)
    # level2 1->0: B1 @ (x_edges_l1 @ W4), no update  (rows = nodes, cols = edges)
    x_edges_l2 = _spmm(inc_node, inc_edge, x_edges_l1 @ W4, N)
    # merge on nodes: inter_aggr='sum', update_on_merge='sigmoid'
    return jax.nn.sigmoid(x_nodes_l2 + x_edges_l2)

if __name__ == "__main__":
    import jax
    _d = setup_inputs()
    print(jax.jit(kernel)(*tuple(_d.values())))

</pallas_src>

<mosaic_0001>
#map = affine_map<(d0, d1) -> (0, 0)>
#map1 = affine_map<(d0, d1) -> (0, 0, 0)>
module attributes {stable_mosaic.version = 14 : i64} {
  func.func @_sc_scatter_body(%arg0: i32, %arg1: i32, %arg2: memref<163840x128xf32, #tpu.memory_space<hbm>>, %arg3: memref<32x79x128xi32, #tpu.memory_space<hbm>>, %arg4: memref<32x79x128xi32, #tpu.memory_space<hbm>>, %arg5: memref<640x128xf32, #tpu.memory_space<hbm>>, %arg6: memref<2x10240x128xf32, #tpu.memory_space<hbm>>, %arg7: memref<79x128xi32, #tpu.memory_space<vmem>>, %arg8: memref<79x128xi32, #tpu.memory_space<vmem>>, %arg9: memref<128x128xf32, #tpu.memory_space<vmem>>, %arg10: memref<10240x128xf32, #tpu.memory_space<vmem_shared>>, %arg11: memref<!tpu.dma_semaphore, #tpu.memory_space<semaphore_mem>>) attributes {dimension_semantics = [#tpu.dimension_semantics<core_parallel>, #tpu.dimension_semantics<subcore_parallel>], iteration_bounds = array<i64: 2, 16>, scalar_prefetch = 0 : i64, scratch_operands = 5 : i64, tpu.core_type = #tpu.core_type<sc_vector_subcore>, window_params = [{transform_indices = #map}, {transform_indices = #map1}, {transform_indices = #map1}, {transform_indices = #map}, {transform_indices = #map1}]} {
    %mul3A = arith.constant 16 : i32
    %mul3A_0 = arith.muli %arg0, %mul3A : i32
    %add3A = arith.addi %mul3A_0, %arg1 : i32
    %mul3A_1 = arith.constant 640 : i32
    %mul3A_2 = arith.muli %arg1, %mul3A_1 : i32
    "tpu.region"() ({
      %run_scoped3A = tpu.sem_alloc : memref<!tpu.dma_semaphore, #tpu.memory_space<semaphore_mem>>
      %dma_start3A = arith.constant 0 : i32
      %dma_start3A_13 = tpu.memref_slice %arg10[%mul3A_2, %dma_start3A] : memref<10240x128xf32, #tpu.memory_space<vmem_shared>> -> memref<640x128xf32, #tpu.memory_space<vmem_shared>>
      tpu.enqueue_dma source(%arg5 : memref<640x128xf32, #tpu.memory_space<hbm>>) target(%dma_start3A_13 : memref<640x128xf32, #tpu.memory_space<vmem_shared>>) target_semaphore(%run_scoped3A : memref<!tpu.dma_semaphore, #tpu.memory_space<semaphore_mem>>)
      %dma_wait3A = arith.constant 0 : i32
      %dma_wait3A_14 = tpu.memref_slice %arg10[%mul3A_2, %dma_wait3A] : memref<10240x128xf32, #tpu.memory_space<vmem_shared>> -> memref<640x128xf32, #tpu.memory_space<vmem_shared>>
      tpu.wait_dma2 semaphore(%run_scoped3A : memref<!tpu.dma_semaphore, #tpu.memory_space<semaphore_mem>>) src(%arg5 : memref<640x128xf32, #tpu.memory_space<hbm>>) dst(%dma_wait3A_14 : memref<640x128xf32, #tpu.memory_space<vmem_shared>>)
      tpu.yield
    }) : () -> ()
    %barrier3A = arith.constant 0 : index
    tpu.barrier barrier_id(%barrier3A)
    "tpu.region"() ({
      %run_scoped3A = tpu.sem_alloc : memref<!tpu.dma_semaphore, #tpu.memory_space<semaphore_mem>>
      %dma_start3A = arith.constant 0 : i32
      %dma_start3A_13 = arith.constant 0 : i32
      %dma_start3A_14 = tpu.memref_slice %arg3[%add3A, %dma_start3A, %dma_start3A_13] : memref<32x79x128xi32, #tpu.memory_space<hbm>> -> memref<1x79x128xi32, #tpu.memory_space<hbm>>
      %dma_start3A_15 = tpu.memref_squeeze %dma_start3A_14 : memref<1x79x128xi32, #tpu.memory_space<hbm>> -> memref<79x128xi32, #tpu.memory_space<hbm>>
      %dma_start3A_16 = arith.constant 0 : i32
      %dma_start3A_17 = arith.constant 0 : i32
      %dma_start3A_18 = tpu.memref_slice %arg3[%add3A, %dma_start3A_16, %dma_start3A_17] : memref<32x79x128xi32, #tpu.memory_space<hbm>> -> memref<1x79x128xi32, #tpu.memory_space<hbm>>
      %dma_start3A_19 = tpu.memref_squeeze %dma_start3A_18 : memref<1x79x128xi32, #tpu.memory_space<hbm>> -> memref<79x128xi32, #tpu.memory_space<hbm>>
      tpu.enqueue_dma source(%dma_start3A_19 : memref<79x128xi32, #tpu.memory_space<hbm>>) target(%arg7 : memref<79x128xi32, #tpu.memory_space<vmem>>) target_semaphore(%run_scoped3A : memref<!tpu.dma_semaphore, #tpu.memory_space<semaphore_mem>>)
      %dma_wait3A = arith.constant 0 : i32
      %dma_wait3A_20 = arith.constant 0 : i32
      %dma_wait3A_21 = tpu.memref_slice %arg3[%add3A, %dma_wait3A, %dma_wait3A_20] : memref<32x79x128xi32, #tpu.memory_space<hbm>> -> memref<1x79x128xi32, #tpu.memory_space<hbm>>
      %dma_wait3A_22 = tpu.memref_squeeze %dma_wait3A_21 : memref<1x79x128xi32, #tpu.memory_space<hbm>> -> memref<79x128xi32, #tpu.memory_space<hbm>>
      %dma_wait3A_23 = arith.constant 0 : i32
      %dma_wait3A_24 = arith.constant 0 : i32
      %dma_wait3A_25 = tpu.memref_slice %arg3[%add3A, %dma_wait3A_23, %dma_wait3A_24] : memref<32x79x128xi32, #tpu.memory_space<hbm>> -> memref<1x79x128xi32, #tpu.memory_space<hbm>>
      %dma_wait3A_26 = tpu.memref_squeeze %dma_wait3A_25 : memref<1x79x128xi32, #tpu.memory_space<hbm>> -> memref<79x128xi32, #tpu.memory_space<hbm>>
      tpu.wait_dma2 semaphore(%run_scoped3A : memref<!tpu.dma_semaphore, #tpu.memory_space<semaphore_mem>>) src(%dma_wait3A_26 : memref<79x128xi32, #tpu.memory_space<hbm>>) dst(%arg7 : memref<79x128xi32, #tpu.memory_space<vmem>>)
      tpu.yield
    }) : () -> ()
    "tpu.region"() ({
      %run_scoped3A = tpu.sem_alloc : memref<!tpu.dma_semaphore, #tpu.memory_space<semaphore_mem>>
      %dma_start3A = arith.constant 0 : i32
      %dma_start3A_13 = arith.constant 0 : i32
      %dma_start3A_14 = tpu.memref_slice %arg4[%add3A, %dma_start3A, %dma_start3A_13] : memref<32x79x128xi32, #tpu.memory_space<hbm>> -> memref<1x79x128xi32, #tpu.memory_space<hbm>>
      %dma_start3A_15 = tpu.memref_squeeze %dma_start3A_14 : memref<1x79x128xi32, #tpu.memory_space<hbm>> -> memref<79x128xi32, #tpu.memory_space<hbm>>
      %dma_start3A_16 = arith.constant 0 : i32
      %dma_start3A_17 = arith.constant 0 : i32
      %dma_start3A_18 = tpu.memref_slice %arg4[%add3A, %dma_start3A_16, %dma_start3A_17] : memref<32x79x128xi32, #tpu.memory_space<hbm>> -> memref<1x79x128xi32, #tpu.memory_space<hbm>>
      %dma_start3A_19 = tpu.memref_squeeze %dma_start3A_18 : memref<1x79x128xi32, #tpu.memory_space<hbm>> -> memref<79x128xi32, #tpu.memory_space<hbm>>
      tpu.enqueue_dma source(%dma_start3A_19 : memref<79x128xi32, #tpu.memory_space<hbm>>) target(%arg8 : memref<79x128xi32, #tpu.memory_space<vmem>>) target_semaphore(%run_scoped3A : memref<!tpu.dma_semaphore, #tpu.memory_space<semaphore_mem>>)
      %dma_wait3A = arith.constant 0 : i32
      %dma_wait3A_20 = arith.constant 0 : i32
      %dma_wait3A_21 = tpu.memref_slice %arg4[%add3A, %dma_wait3A, %dma_wait3A_20] : memref<32x79x128xi32, #tpu.memory_space<hbm>> -> memref<1x79x128xi32, #tpu.memory_space<hbm>>
      %dma_wait3A_22 = tpu.memref_squeeze %dma_wait3A_21 : memref<1x79x128xi32, #tpu.memory_space<hbm>> -> memref<79x128xi32, #tpu.memory_space<hbm>>
      %dma_wait3A_23 = arith.constant 0 : i32
      %dma_wait3A_24 = arith.constant 0 : i32
      %dma_wait3A_25 = tpu.memref_slice %arg4[%add3A, %dma_wait3A_23, %dma_wait3A_24] : memref<32x79x128xi32, #tpu.memory_space<hbm>> -> memref<1x79x128xi32, #tpu.memory_space<hbm>>
      %dma_wait3A_26 = tpu.memref_squeeze %dma_wait3A_25 : memref<1x79x128xi32, #tpu.memory_space<hbm>> -> memref<79x128xi32, #tpu.memory_space<hbm>>
      tpu.wait_dma2 semaphore(%run_scoped3A : memref<!tpu.dma_semaphore, #tpu.memory_space<semaphore_mem>>) src(%dma_wait3A_26 : memref<79x128xi32, #tpu.memory_space<hbm>>) dst(%arg8 : memref<79x128xi32, #tpu.memory_space<vmem>>)
      tpu.yield
    }) : () -> ()
    %scan3A = arith.constant 0 : i32
    %scan3A_3 = arith.constant 0 : i32
    %scan3A_4 = arith.constant 79 : i32
    %scan3A_5 = arith.addi %scan3A_3, %scan3A_4 : i32
    %scan3A_6 = arith.constant 1 : i32
    scf.for %scan3A_13 = %scan3A_3 to %scan3A_5 step %scan3A_6  : i32 {
      %dma_start3A = arith.constant 0 : i32
      %dma_start3A_14 = tpu.memref_slice %arg7[%scan3A_13, %dma_start3A] : memref<79x128xi32, #tpu.memory_space<vmem>> -> memref<1x128xi32, #tpu.memory_space<vmem>>
      %dma_start3A_15 = tpu.memref_squeeze %dma_start3A_14 : memref<1x128xi32, #tpu.memory_space<vmem>> -> memref<128xi32, #tpu.memory_space<vmem>>
      %dma_start3A_16 = arith.constant 0 : i32
      %dma_start3A_17 = arith.constant 0 : i32
      %dma_start3A_18 = tpu.memref_slice %arg2[%dma_start3A_16, %dma_start3A_17] : memref<163840x128xf32, #tpu.memory_space<hbm>> -> memref<163840x128xf32, #tpu.memory_space<hbm>>
      tpu.enqueue_indirect_dma source(%dma_start3A_18 : memref<163840x128xf32, #tpu.memory_space<hbm>>) target(%arg9 : memref<128x128xf32, #tpu.memory_space<vmem>>) offsets(%dma_start3A_15 : memref<128xi32, #tpu.memory_space<vmem>>) semaphore(%arg11 : memref<!tpu.dma_semaphore, #tpu.memory_space<semaphore_mem>>)
      %dma_wait3A = arith.constant 0 : i32
      %dma_wait3A_19 = tpu.memref_slice %arg7[%scan3A_13, %dma_wait3A] : memref<79x128xi32, #tpu.memory_space<vmem>> -> memref<1x128xi32, #tpu.memory_space<vmem>>
      %dma_wait3A_20 = tpu.memref_squeeze %dma_wait3A_19 : memref<1x128xi32, #tpu.memory_space<vmem>> -> memref<128xi32, #tpu.memory_space<vmem>>
      %dma_wait3A_21 = arith.constant 0 : i32
      %dma_wait3A_22 = arith.constant 0 : i32
      %dma_wait3A_23 = tpu.memref_slice %arg2[%dma_wait3A_21, %dma_wait3A_22] : memref<163840x128xf32, #tpu.memory_space<hbm>> -> memref<163840x128xf32, #tpu.memory_space<hbm>>
      tpu.wait_indirect_dma semaphore(%arg11 : memref<!tpu.dma_semaphore, #tpu.memory_space<semaphore_mem>>) src(%dma_wait3A_23 : memref<163840x128xf32, #tpu.memory_space<hbm>>) dst(%arg9 : memref<128x128xf32, #tpu.memory_space<vmem>>)
      "tpu.region"() ({
        %run_scoped3A = tpu.sem_alloc : memref<!tpu.dma_semaphore, #tpu.memory_space<semaphore_mem>>
        %dma_start3A_24 = arith.constant 0 : i32
        %dma_start3A_25 = tpu.memref_slice %arg8[%scan3A_13, %dma_start3A_24] : memref<79x128xi32, #tpu.memory_space<vmem>> -> memref<1x128xi32, #tpu.memory_space<vmem>>
        %dma_start3A_26 = tpu.memref_squeeze %dma_start3A_25 : memref<1x128xi32, #tpu.memory_space<vmem>> -> memref<128xi32, #tpu.memory_space<vmem>>
        %dma_start3A_27 = arith.constant 0 : i32
        %dma_start3A_28 = arith.constant 0 : i32
        %dma_start3A_29 = tpu.memref_slice %arg10[%dma_start3A_27, %dma_start3A_28] : memref<10240x128xf32, #tpu.memory_space<vmem_shared>> -> memref<10240x128xf32, #tpu.memory_space<vmem_shared>>
        tpu.enqueue_indirect_dma source(%arg9 : memref<128x128xf32, #tpu.memory_space<vmem>>) target(%dma_start3A_29 : memref<10240x128xf32, #tpu.memory_space<vmem_shared>>) offsets(%dma_start3A_26 : memref<128xi32, #tpu.memory_space<vmem>>) semaphore(%run_scoped3A : memref<!tpu.dma_semaphore, #tpu.memory_space<semaphore_mem>>) {add = true}
        %dma_wait3A_30 = arith.constant 0 : i32
        %dma_wait3A_31 = tpu.memref_slice %arg8[%scan3A_13, %dma_wait3A_30] : memref<79x128xi32, #tpu.memory_space<vmem>> -> memref<1x128xi32, #tpu.memory_space<vmem>>
        %dma_wait3A_32 = tpu.memref_squeeze %dma_wait3A_31 : memref<1x128xi32, #tpu.memory_space<vmem>> -> memref<128xi32, #tpu.memory_space<vmem>>
        %dma_wait3A_33 = arith.constant 0 : i32
        %dma_wait3A_34 = arith.constant 0 : i32
        %dma_wait3A_35 = tpu.memref_slice %arg10[%dma_wait3A_33, %dma_wait3A_34] : memref<10240x128xf32, #tpu.memory_space<vmem_shared>> -> memref<10240x128xf32, #tpu.memory_space<vmem_shared>>
        tpu.wait_indirect_dma semaphore(%run_scoped3A : memref<!tpu.dma_semaphore, #tpu.memory_space<semaphore_mem>>) src(%arg9 : memref<128x128xf32, #tpu.memory_space<vmem>>) dst(%dma_wait3A_35 : memref<10240x128xf32, #tpu.memory_space<vmem_shared>>)
        tpu.yield
      }) : () -> ()
    }
    %scan3A_7 = arith.constant 79 : i32
    %barrier3A_8 = arith.constant 0 : index
    tpu.barrier barrier_id(%barrier3A_8)
    %mul3A_9 = arith.constant 640 : i32
    %mul3A_10 = arith.muli %arg1, %mul3A_9 : i32
    %mul3A_11 = arith.constant 640 : i32
    %mul3A_12 = arith.muli %arg1, %mul3A_11 : i32
    "tpu.region"() ({
      %run_scoped3A = tpu.sem_alloc : memref<!tpu.dma_semaphore, #tpu.memory_space<semaphore_mem>>
      %dma_start3A = arith.constant 0 : i32
      %dma_start3A_13 = tpu.memref_slice %arg6[%arg0, %mul3A_12, %dma_start3A] : memref<2x10240x128xf32, #tpu.memory_space<hbm>> -> memref<1x640x128xf32, #tpu.memory_space<hbm>>
      %dma_start3A_14 = tpu.memref_squeeze %dma_start3A_13 : memref<1x640x128xf32, #tpu.memory_space<hbm>> -> memref<640x128xf32, #tpu.memory_space<hbm>>
      %dma_start3A_15 = arith.constant 0 : i32
      %dma_start3A_16 = tpu.memref_slice %arg10[%mul3A_10, %dma_start3A_15] : memref<10240x128xf32, #tpu.memory_space<vmem_shared>> -> memref<640x128xf32, #tpu.memory_space<vmem_shared>>
      tpu.enqueue_dma source(%dma_start3A_16 : memref<640x128xf32, #tpu.memory_space<vmem_shared>>) target(%dma_start3A_14 : memref<640x128xf32, #tpu.memory_space<hbm>>) target_semaphore(%run_scoped3A : memref<!tpu.dma_semaphore, #tpu.memory_space<semaphore_mem>>)
      %dma_wait3A = arith.constant 0 : i32
      %dma_wait3A_17 = tpu.memref_slice %arg6[%arg0, %mul3A_12, %dma_wait3A] : memref<2x10240x128xf32, #tpu.memory_space<hbm>> -> memref<1x640x128xf32, #tpu.memory_space<hbm>>
      %dma_wait3A_18 = tpu.memref_squeeze %dma_wait3A_17 : memref<1x640x128xf32, #tpu.memory_space<hbm>> -> memref<640x128xf32, #tpu.memory_space<hbm>>
      %dma_wait3A_19 = arith.constant 0 : i32
      %dma_wait3A_20 = tpu.memref_slice %arg10[%mul3A_10, %dma_wait3A_19] : memref<10240x128xf32, #tpu.memory_space<vmem_shared>> -> memref<640x128xf32, #tpu.memory_space<vmem_shared>>
      tpu.wait_dma2 semaphore(%run_scoped3A : memref<!tpu.dma_semaphore, #tpu.memory_space<semaphore_mem>>) src(%dma_wait3A_20 : memref<640x128xf32, #tpu.memory_space<vmem_shared>>) dst(%dma_wait3A_18 : memref<640x128xf32, #tpu.memory_space<hbm>>)
      tpu.yield
    }) : () -> ()
    return
  }
}

#map = affine_map<(d0, d1) -> (0, 0)>
#map1 = affine_map<(d0, d1) -> (0, 0, 0)>
module attributes {stable_mosaic.version = 14 : i64} {
  func.func @_sc_scatter_body(%arg0: i32, %arg1: i32, %arg2: memref<10000x128xf32, #tpu.memory_space<hbm>>, %arg3: memref<32x79x128xi32, #tpu.memory_space<hbm>>, %arg4: memref<32x79x128xi32, #tpu.memory_space<hbm>>, %arg5: memref<640x128xf32, #tpu.memory_space<hbm>>, %arg6: memref<2x10240x128xf32, #tpu.memory_space<hbm>>, %arg7: memref<79x128xi32, #tpu.memory_space<vmem>>, %arg8: memref<79x128xi32, #tpu.memory_space<vmem>>, %arg9: memref<128x128xf32, #tpu.memory_space<vmem>>, %arg10: memref<10240x128xf32, #tpu.memory_space<vmem_shared>>, %arg11: memref<!tpu.dma_semaphore, #tpu.memory_space<semaphore_mem>>) attributes {dimension_semantics = [#tpu.dimension_semantics<core_parallel>, #tpu.dimension_semantics<subcore_parallel>], iteration_bounds = array<i64: 2, 16>, scalar_prefetch = 0 : i64, scratch_operands = 5 : i64, tpu.core_type = #tpu.core_type<sc_vector_subcore>, window_params = [{transform_indices = #map}, {transform_indices = #map1}, {transform_indices = #map1}, {transform_indices = #map}, {transform_indices = #map1}]} {
    %mul3A = arith.constant 16 : i32
    %mul3A_0 = arith.muli %arg0, %mul3A : i32
    %add3A = arith.addi %mul3A_0, %arg1 : i32
    %mul3A_1 = arith.constant 640 : i32
    %mul3A_2 = arith.muli %arg1, %mul3A_1 : i32
    "tpu.region"() ({
      %run_scoped3A = tpu.sem_alloc : memref<!tpu.dma_semaphore, #tpu.memory_space<semaphore_mem>>
      %dma_start3A = arith.constant 0 : i32
      %dma_start3A_13 = tpu.memref_slice %arg10[%mul3A_2, %dma_start3A] : memref<10240x128xf32, #tpu.memory_space<vmem_shared>> -> memref<640x128xf32, #tpu.memory_space<vmem_shared>>
      tpu.enqueue_dma source(%arg5 : memref<640x128xf32, #tpu.memory_space<hbm>>) target(%dma_start3A_13 : memref<640x128xf32, #tpu.memory_space<vmem_shared>>) target_semaphore(%run_scoped3A : memref<!tpu.dma_semaphore, #tpu.memory_space<semaphore_mem>>)
      %dma_wait3A = arith.constant 0 : i32
      %dma_wait3A_14 = tpu.memref_slice %arg10[%mul3A_2, %dma_wait3A] : memref<10240x128xf32, #tpu.memory_space<vmem_shared>> -> memref<640x128xf32, #tpu.memory_space<vmem_shared>>
      tpu.wait_dma2 semaphore(%run_scoped3A : memref<!tpu.dma_semaphore, #tpu.memory_space<semaphore_mem>>) src(%arg5 : memref<640x128xf32, #tpu.memory_space<hbm>>) dst(%dma_wait3A_14 : memref<640x128xf32, #tpu.memory_space<vmem_shared>>)
      tpu.yield
    }) : () -> ()
    %barrier3A = arith.constant 0 : index
    tpu.barrier barrier_id(%barrier3A)
    "tpu.region"() ({
      %run_scoped3A = tpu.sem_alloc : memref<!tpu.dma_semaphore, #tpu.memory_space<semaphore_mem>>
      %dma_start3A = arith.constant 0 : i32
      %dma_start3A_13 = arith.constant 0 : i32
      %dma_start3A_14 = tpu.memref_slice %arg3[%add3A, %dma_start3A, %dma_start3A_13] : memref<32x79x128xi32, #tpu.memory_space<hbm>> -> memref<1x79x128xi32, #tpu.memory_space<hbm>>
      %dma_start3A_15 = tpu.memref_squeeze %dma_start3A_14 : memref<1x79x128xi32, #tpu.memory_space<hbm>> -> memref<79x128xi32, #tpu.memory_space<hbm>>
      %dma_start3A_16 = arith.constant 0 : i32
      %dma_start3A_17 = arith.constant 0 : i32
      %dma_start3A_18 = tpu.memref_slice %arg3[%add3A, %dma_start3A_16, %dma_start3A_17] : memref<32x79x128xi32, #tpu.memory_space<hbm>> -> memref<1x79x128xi32, #tpu.memory_space<hbm>>
      %dma_start3A_19 = tpu.memref_squeeze %dma_start3A_18 : memref<1x79x128xi32, #tpu.memory_space<hbm>> -> memref<79x128xi32, #tpu.memory_space<hbm>>
      tpu.enqueue_dma source(%dma_start3A_19 : memref<79x128xi32, #tpu.memory_space<hbm>>) target(%arg7 : memref<79x128xi32, #tpu.memory_space<vmem>>) target_semaphore(%run_scoped3A : memref<!tpu.dma_semaphore, #tpu.memory_space<semaphore_mem>>)
      %dma_wait3A = arith.constant 0 : i32
      %dma_wait3A_20 = arith.constant 0 : i32
      %dma_wait3A_21 = tpu.memref_slice %arg3[%add3A, %dma_wait3A, %dma_wait3A_20] : memref<32x79x128xi32, #tpu.memory_space<hbm>> -> memref<1x79x128xi32, #tpu.memory_space<hbm>>
      %dma_wait3A_22 = tpu.memref_squeeze %dma_wait3A_21 : memref<1x79x128xi32, #tpu.memory_space<hbm>> -> memref<79x128xi32, #tpu.memory_space<hbm>>
      %dma_wait3A_23 = arith.constant 0 : i32
      %dma_wait3A_24 = arith.constant 0 : i32
      %dma_wait3A_25 = tpu.memref_slice %arg3[%add3A, %dma_wait3A_23, %dma_wait3A_24] : memref<32x79x128xi32, #tpu.memory_space<hbm>> -> memref<1x79x128xi32, #tpu.memory_space<hbm>>
      %dma_wait3A_26 = tpu.memref_squeeze %dma_wait3A_25 : memref<1x79x128xi32, #tpu.memory_space<hbm>> -> memref<79x128xi32, #tpu.memory_space<hbm>>
      tpu.wait_dma2 semaphore(%run_scoped3A : memref<!tpu.dma_semaphore, #tpu.memory_space<semaphore_mem>>) src(%dma_wait3A_26 : memref<79x128xi32, #tpu.memory_space<hbm>>) dst(%arg7 : memref<79x128xi32, #tpu.memory_space<vmem>>)
      tpu.yield
    }) : () -> ()
    "tpu.region"() ({
      %run_scoped3A = tpu.sem_alloc : memref<!tpu.dma_semaphore, #tpu.memory_space<semaphore_mem>>
      %dma_start3A = arith.constant 0 : i32
      %dma_start3A_13 = arith.constant 0 : i32
      %dma_start3A_14 = tpu.memref_slice %arg4[%add3A, %dma_start3A, %dma_start3A_13] : memref<32x79x128xi32, #tpu.memory_space<hbm>> -> memref<1x79x128xi32, #tpu.memory_space<hbm>>
      %dma_start3A_15 = tpu.memref_squeeze %dma_start3A_14 : memref<1x79x128xi32, #tpu.memory_space<hbm>> -> memref<79x128xi32, #tpu.memory_space<hbm>>
      %dma_start3A_16 = arith.constant 0 : i32
      %dma_start3A_17 = arith.constant 0 : i32
      %dma_start3A_18 = tpu.memref_slice %arg4[%add3A, %dma_start3A_16, %dma_start3A_17] : memref<32x79x128xi32, #tpu.memory_space<hbm>> -> memref<1x79x128xi32, #tpu.memory_space<hbm>>
      %dma_start3A_19 = tpu.memref_squeeze %dma_start3A_18 : memref<1x79x128xi32, #tpu.memory_space<hbm>> -> memref<79x128xi32, #tpu.memory_space<hbm>>
      tpu.enqueue_dma source(%dma_start3A_19 : memref<79x128xi32, #tpu.memory_space<hbm>>) target(%arg8 : memref<79x128xi32, #tpu.memory_space<vmem>>) target_semaphore(%run_scoped3A : memref<!tpu.dma_semaphore, #tpu.memory_space<semaphore_mem>>)
      %dma_wait3A = arith.constant 0 : i32
      %dma_wait3A_20 = arith.constant 0 : i32
      %dma_wait3A_21 = tpu.memref_slice %arg4[%add3A, %dma_wait3A, %dma_wait3A_20] : memref<32x79x128xi32, #tpu.memory_space<hbm>> -> memref<1x79x128xi32, #tpu.memory_space<hbm>>
      %dma_wait3A_22 = tpu.memref_squeeze %dma_wait3A_21 : memref<1x79x128xi32, #tpu.memory_space<hbm>> -> memref<79x128xi32, #tpu.memory_space<hbm>>
      %dma_wait3A_23 = arith.constant 0 : i32
      %dma_wait3A_24 = arith.constant 0 : i32
      %dma_wait3A_25 = tpu.memref_slice %arg4[%add3A, %dma_wait3A_23, %dma_wait3A_24] : memref<32x79x128xi32, #tpu.memory_space<hbm>> -> memref<1x79x128xi32, #tpu.memory_space<hbm>>
      %dma_wait3A_26 = tpu.memref_squeeze %dma_wait3A_25 : memref<1x79x128xi32, #tpu.memory_space<hbm>> -> memref<79x128xi32, #tpu.memory_space<hbm>>
      tpu.wait_dma2 semaphore(%run_scoped3A : memref<!tpu.dma_semaphore, #tpu.memory_space<semaphore_mem>>) src(%dma_wait3A_26 : memref<79x128xi32, #tpu.memory_space<hbm>>) dst(%arg8 : memref<79x128xi32, #tpu.memory_space<vmem>>)
      tpu.yield
    }) : () -> ()
    %scan3A = arith.constant 0 : i32
    %scan3A_3 = arith.constant 0 : i32
    %scan3A_4 = arith.constant 79 : i32
    %scan3A_5 = arith.addi %scan3A_3, %scan3A_4 : i32
    %scan3A_6 = arith.constant 1 : i32
    scf.for %scan3A_13 = %scan3A_3 to %scan3A_5 step %scan3A_6  : i32 {
      %dma_start3A = arith.constant 0 : i32
      %dma_start3A_14 = tpu.memref_slice %arg7[%scan3A_13, %dma_start3A] : memref<79x128xi32, #tpu.memory_space<vmem>> -> memref<1x128xi32, #tpu.memory_space<vmem>>
      %dma_start3A_15 = tpu.memref_squeeze %dma_start3A_14 : memref<1x128xi32, #tpu.memory_space<vmem>> -> memref<128xi32, #tpu.memory_space<vmem>>
      %dma_start3A_16 = arith.constant 0 : i32
      %dma_start3A_17 = arith.constant 0 : i32
      %dma_start3A_18 = tpu.memref_slice %arg2[%dma_start3A_16, %dma_start3A_17] : memref<10000x128xf32, #tpu.memory_space<hbm>> -> memref<10000x128xf32, #tpu.memory_space<hbm>>
      tpu.enqueue_indirect_dma source(%dma_start3A_18 : memref<10000x128xf32, #tpu.memory_space<hbm>>) target(%arg9 : memref<128x128xf32, #tpu.memory_space<vmem>>) offsets(%dma_start3A_15 : memref<128xi32, #tpu.memory_space<vmem>>) semaphore(%arg11 : memref<!tpu.dma_semaphore, #tpu.memory_space<semaphore_mem>>)
      %dma_wait3A = arith.constant 0 : i32
      %dma_wait3A_19 = tpu.memref_slice %arg7[%scan3A_13, %dma_wait3A] : memref<79x128xi32, #tpu.memory_space<vmem>> -> memref<1x128xi32, #tpu.memory_space<vmem>>
      %dma_wait3A_20 = tpu.memref_squeeze %dma_wait3A_19 : memref<1x128xi32, #tpu.memory_space<vmem>> -> memref<128xi32, #tpu.memory_space<vmem>>
      %dma_wait3A_21 = arith.constant 0 : i32
      %dma_wait3A_22 = arith.constant 0 : i32
      %dma_wait3A_23 = tpu.memref_slice %arg2[%dma_wait3A_21, %dma_wait3A_22] : memref<10000x128xf32, #tpu.memory_space<hbm>> -> memref<10000x128xf32, #tpu.memory_space<hbm>>
      tpu.wait_indirect_dma semaphore(%arg11 : memref<!tpu.dma_semaphore, #tpu.memory_space<semaphore_mem>>) src(%dma_wait3A_23 : memref<10000x128xf32, #tpu.memory_space<hbm>>) dst(%arg9 : memref<128x128xf32, #tpu.memory_space<vmem>>)
      "tpu.region"() ({
        %run_scoped3A = tpu.sem_alloc : memref<!tpu.dma_semaphore, #tpu.memory_space<semaphore_mem>>
        %dma_start3A_24 = arith.constant 0 : i32
        %dma_start3A_25 = tpu.memref_slice %arg8[%scan3A_13, %dma_start3A_24] : memref<79x128xi32, #tpu.memory_space<vmem>> -> memref<1x128xi32, #tpu.memory_space<vmem>>
        %dma_start3A_26 = tpu.memref_squeeze %dma_start3A_25 : memref<1x128xi32, #tpu.memory_space<vmem>> -> memref<128xi32, #tpu.memory_space<vmem>>
        %dma_start3A_27 = arith.constant 0 : i32
        %dma_start3A_28 = arith.constant 0 : i32
        %dma_start3A_29 = tpu.memref_slice %arg10[%dma_start3A_27, %dma_start3A_28] : memref<10240x128xf32, #tpu.memory_space<vmem_shared>> -> memref<10240x128xf32, #tpu.memory_space<vmem_shared>>
        tpu.enqueue_indirect_dma source(%arg9 : memref<128x128xf32, #tpu.memory_space<vmem>>) target(%dma_start3A_29 : memref<10240x128xf32, #tpu.memory_space<vmem_shared>>) offsets(%dma_start3A_26 : memref<128xi32, #tpu.memory_space<vmem>>) semaphore(%run_scoped3A : memref<!tpu.dma_semaphore, #tpu.memory_space<semaphore_mem>>) {add = true}
        %dma_wait3A_30 = arith.constant 0 : i32
        %dma_wait3A_31 = tpu.memref_slice %arg8[%scan3A_13, %dma_wait3A_30] : memref<79x128xi32, #tpu.memory_space<vmem>> -> memref<1x128xi32, #tpu.memory_space<vmem>>
        %dma_wait3A_32 = tpu.memref_squeeze %dma_wait3A_31 : memref<1x128xi32, #tpu.memory_space<vmem>> -> memref<128xi32, #tpu.memory_space<vmem>>
        %dma_wait3A_33 = arith.constant 0 : i32
        %dma_wait3A_34 = arith.constant 0 : i32
        %dma_wait3A_35 = tpu.memref_slice %arg10[%dma_wait3A_33, %dma_wait3A_34] : memref<10240x128xf32, #tpu.memory_space<vmem_shared>> -> memref<10240x128xf32, #tpu.memory_space<vmem_shared>>
        tpu.wait_indirect_dma semaphore(%run_scoped3A : memref<!tpu.dma_semaphore, #tpu.memory_space<semaphore_mem>>) src(%arg9 : memref<128x128xf32, #tpu.memory_space<vmem>>) dst(%dma_wait3A_35 : memref<10240x128xf32, #tpu.memory_space<vmem_shared>>)
        tpu.yield
      }) : () -> ()
    }
    %scan3A_7 = arith.constant 79 : i32
    %barrier3A_8 = arith.constant 0 : index
    tpu.barrier barrier_id(%barrier3A_8)
    %mul3A_9 = arith.constant 640 : i32
    %mul3A_10 = arith.muli %arg1, %mul3A_9 : i32
    %mul3A_11 = arith.constant 640 : i32
    %mul3A_12 = arith.muli %arg1, %mul3A_11 : i32
    "tpu.region"() ({
      %run_scoped3A = tpu.sem_alloc : memref<!tpu.dma_semaphore, #tpu.memory_space<semaphore_mem>>
      %dma_start3A = arith.constant 0 : i32
      %dma_start3A_13 = tpu.memref_slice %arg6[%arg0, %mul3A_12, %dma_start3A] : memref<2x10240x128xf32, #tpu.memory_space<hbm>> -> memref<1x640x128xf32, #tpu.memory_space<hbm>>
      %dma_start3A_14 = tpu.memref_squeeze %dma_start3A_13 : memref<1x640x128xf32, #tpu.memory_space<hbm>> -> memref<640x128xf32, #tpu.memory_space<hbm>>
      %dma_start3A_15 = arith.constant 0 : i32
      %dma_start3A_16 = tpu.memref_slice %arg10[%mul3A_10, %dma_start3A_15] : memref<10240x128xf32, #tpu.memory_space<vmem_shared>> -> memref<640x128xf32, #tpu.memory_space<vmem_shared>>
      tpu.enqueue_dma source(%dma_start3A_16 : memref<640x128xf32, #tpu.memory_space<vmem_shared>>) target(%dma_start3A_14 : memref<640x128xf32, #tpu.memory_space<hbm>>) target_semaphore(%run_scoped3A : memref<!tpu.dma_semaphore, #tpu.memory_space<semaphore_mem>>)
      %dma_wait3A = arith.constant 0 : i32
      %dma_wait3A_17 = tpu.memref_slice %arg6[%arg0, %mul3A_12, %dma_wait3A] : memref<2x10240x128xf32, #tpu.memory_space<hbm>> -> memref<1x640x128xf32, #tpu.memory_space<hbm>>
      %dma_wait3A_18 = tpu.memref_squeeze %dma_wait3A_17 : memref<1x640x128xf32, #tpu.memory_space<hbm>> -> memref<640x128xf32, #tpu.memory_space<hbm>>
      %dma_wait3A_19 = arith.constant 0 : i32
      %dma_wait3A_20 = tpu.memref_slice %arg10[%mul3A_10, %dma_wait3A_19] : memref<10240x128xf32, #tpu.memory_space<vmem_shared>> -> memref<640x128xf32, #tpu.memory_space<vmem_shared>>
      tpu.wait_dma2 semaphore(%run_scoped3A : memref<!tpu.dma_semaphore, #tpu.memory_space<semaphore_mem>>) src(%dma_wait3A_20 : memref<640x128xf32, #tpu.memory_space<vmem_shared>>) dst(%dma_wait3A_18 : memref<640x128xf32, #tpu.memory_space<hbm>>)
      tpu.yield
    }) : () -> ()
    return
  }
}

#map = affine_map<(d0, d1) -> (0, 0)>
#map1 = affine_map<(d0, d1) -> (0, 0, 0)>
module attributes {stable_mosaic.version = 14 : i64} {
  func.func @_sc_scatter_body(%arg0: i32, %arg1: i32, %arg2: memref<10000x128xf32, #tpu.memory_space<hbm>>, %arg3: memref<32x79x128xi32, #tpu.memory_space<hbm>>, %arg4: memref<32x79x128xi32, #tpu.memory_space<hbm>>, %arg5: memref<640x128xf32, #tpu.memory_space<hbm>>, %arg6: memref<2x10240x128xf32, #tpu.memory_space<hbm>>, %arg7: memref<79x128xi32, #tpu.memory_space<vmem>>, %arg8: memref<79x128xi32, #tpu.memory_space<vmem>>, %arg9: memref<128x128xf32, #tpu.memory_space<vmem>>, %arg10: memref<10240x128xf32, #tpu.memory_space<vmem_shared>>, %arg11: memref<!tpu.dma_semaphore, #tpu.memory_space<semaphore_mem>>) attributes {dimension_semantics = [#tpu.dimension_semantics<core_parallel>, #tpu.dimension_semantics<subcore_parallel>], iteration_bounds = array<i64: 2, 16>, scalar_prefetch = 0 : i64, scratch_operands = 5 : i64, tpu.core_type = #tpu.core_type<sc_vector_subcore>, window_params = [{transform_indices = #map}, {transform_indices = #map1}, {transform_indices = #map1}, {transform_indices = #map}, {transform_indices = #map1}]} {
    %mul3A = arith.constant 16 : i32
    %mul3A_0 = arith.muli %arg0, %mul3A : i32
    %add3A = arith.addi %mul3A_0, %arg1 : i32
    %mul3A_1 = arith.constant 640 : i32
    %mul3A_2 = arith.muli %arg1, %mul3A_1 : i32
    "tpu.region"() ({
      %run_scoped3A = tpu.sem_alloc : memref<!tpu.dma_semaphore, #tpu.memory_space<semaphore_mem>>
      %dma_start3A = arith.constant 0 : i32
      %dma_start3A_13 = tpu.memref_slice %arg10[%mul3A_2, %dma_start3A] : memref<10240x128xf32, #tpu.memory_space<vmem_shared>> -> memref<640x128xf32, #tpu.memory_space<vmem_shared>>
      tpu.enqueue_dma source(%arg5 : memref<640x128xf32, #tpu.memory_space<hbm>>) target(%dma_start3A_13 : memref<640x128xf32, #tpu.memory_space<vmem_shared>>) target_semaphore(%run_scoped3A : memref<!tpu.dma_semaphore, #tpu.memory_space<semaphore_mem>>)
      %dma_wait3A = arith.constant 0 : i32
      %dma_wait3A_14 = tpu.memref_slice %arg10[%mul3A_2, %dma_wait3A] : memref<10240x128xf32, #tpu.memory_space<vmem_shared>> -> memref<640x128xf32, #tpu.memory_space<vmem_shared>>
      tpu.wait_dma2 semaphore(%run_scoped3A : memref<!tpu.dma_semaphore, #tpu.memory_space<semaphore_mem>>) src(%arg5 : memref<640x128xf32, #tpu.memory_space<hbm>>) dst(%dma_wait3A_14 : memref<640x128xf32, #tpu.memory_space<vmem_shared>>)
      tpu.yield
    }) : () -> ()
    %barrier3A = arith.constant 0 : index
    tpu.barrier barrier_id(%barrier3A)
    "tpu.region"() ({
      %run_scoped3A = tpu.sem_alloc : memref<!tpu.dma_semaphore, #tpu.memory_space<semaphore_mem>>
      %dma_start3A = arith.constant 0 : i32
      %dma_start3A_13 = arith.constant 0 : i32
      %dma_start3A_14 = tpu.memref_slice %arg3[%add3A, %dma_start3A, %dma_start3A_13] : memref<32x79x128xi32, #tpu.memory_space<hbm>> -> memref<1x79x128xi32, #tpu.memory_space<hbm>>
      %dma_start3A_15 = tpu.memref_squeeze %dma_start3A_14 : memref<1x79x128xi32, #tpu.memory_space<hbm>> -> memref<79x128xi32, #tpu.memory_space<hbm>>
      %dma_start3A_16 = arith.constant 0 : i32
      %dma_start3A_17 = arith.constant 0 : i32
      %dma_start3A_18 = tpu.memref_slice %arg3[%add3A, %dma_start3A_16, %dma_start3A_17] : memref<32x79x128xi32, #tpu.memory_space<hbm>> -> memref<1x79x128xi32, #tpu.memory_space<hbm>>
      %dma_start3A_19 = tpu.memref_squeeze %dma_start3A_18 : memref<1x79x128xi32, #tpu.memory_space<hbm>> -> memref<79x128xi32, #tpu.memory_space<hbm>>
      tpu.enqueue_dma source(%dma_start3A_19 : memref<79x128xi32, #tpu.memory_space<hbm>>) target(%arg7 : memref<79x128xi32, #tpu.memory_space<vmem>>) target_semaphore(%run_scoped3A : memref<!tpu.dma_semaphore, #tpu.memory_space<semaphore_mem>>)
      %dma_wait3A = arith.constant 0 : i32
      %dma_wait3A_20 = arith.constant 0 : i32
      %dma_wait3A_21 = tpu.memref_slice %arg3[%add3A, %dma_wait3A, %dma_wait3A_20] : memref<32x79x128xi32, #tpu.memory_space<hbm>> -> memref<1x79x128xi32, #tpu.memory_space<hbm>>
      %dma_wait3A_22 = tpu.memref_squeeze %dma_wait3A_21 : memref<1x79x128xi32, #tpu.memory_space<hbm>> -> memref<79x128xi32, #tpu.memory_space<hbm>>
      %dma_wait3A_23 = arith.constant 0 : i32
      %dma_wait3A_24 = arith.constant 0 : i32
      %dma_wait3A_25 = tpu.memref_slice %arg3[%add3A, %dma_wait3A_23, %dma_wait3A_24] : memref<32x79x128xi32, #tpu.memory_space<hbm>> -> memref<1x79x128xi32, #tpu.memory_space<hbm>>
      %dma_wait3A_26 = tpu.memref_squeeze %dma_wait3A_25 : memref<1x79x128xi32, #tpu.memory_space<hbm>> -> memref<79x128xi32, #tpu.memory_space<hbm>>
      tpu.wait_dma2 semaphore(%run_scoped3A : memref<!tpu.dma_semaphore, #tpu.memory_space<semaphore_mem>>) src(%dma_wait3A_26 : memref<79x128xi32, #tpu.memory_space<hbm>>) dst(%arg7 : memref<79x128xi32, #tpu.memory_space<vmem>>)
      tpu.yield
    }) : () -> ()
    "tpu.region"() ({
      %run_scoped3A = tpu.sem_alloc : memref<!tpu.dma_semaphore, #tpu.memory_space<semaphore_mem>>
      %dma_start3A = arith.constant 0 : i32
      %dma_start3A_13 = arith.constant 0 : i32
      %dma_start3A_14 = tpu.memref_slice %arg4[%add3A, %dma_start3A, %dma_start3A_13] : memref<32x79x128xi32, #tpu.memory_space<hbm>> -> memref<1x79x128xi32, #tpu.memory_space<hbm>>
      %dma_start3A_15 = tpu.memref_squeeze %dma_start3A_14 : memref<1x79x128xi32, #tpu.memory_space<hbm>> -> memref<79x128xi32, #tpu.memory_space<hbm>>
      %dma_start3A_16 = arith.constant 0 : i32
      %dma_start3A_17 = arith.constant 0 : i32
      %dma_start3A_18 = tpu.memref_slice %arg4[%add3A, %dma_start3A_16, %dma_start3A_17] : memref<32x79x128xi32, #tpu.memory_space<hbm>> -> memref<1x79x128xi32, #tpu.memory_space<hbm>>
      %dma_start3A_19 = tpu.memref_squeeze %dma_start3A_18 : memref<1x79x128xi32, #tpu.memory_space<hbm>> -> memref<79x128xi32, #tpu.memory_space<hbm>>
      tpu.enqueue_dma source(%dma_start3A_19 : memref<79x128xi32, #tpu.memory_space<hbm>>) target(%arg8 : memref<79x128xi32, #tpu.memory_space<vmem>>) target_semaphore(%run_scoped3A : memref<!tpu.dma_semaphore, #tpu.memory_space<semaphore_mem>>)
      %dma_wait3A = arith.constant 0 : i32
      %dma_wait3A_20 = arith.constant 0 : i32
      %dma_wait3A_21 = tpu.memref_slice %arg4[%add3A, %dma_wait3A, %dma_wait3A_20] : memref<32x79x128xi32, #tpu.memory_space<hbm>> -> memref<1x79x128xi32, #tpu.memory_space<hbm>>
      %dma_wait3A_22 = tpu.memref_squeeze %dma_wait3A_21 : memref<1x79x128xi32, #tpu.memory_space<hbm>> -> memref<79x128xi32, #tpu.memory_space<hbm>>
      %dma_wait3A_23 = arith.constant 0 : i32
      %dma_wait3A_24 = arith.constant 0 : i32
      %dma_wait3A_25 = tpu.memref_slice %arg4[%add3A, %dma_wait3A_23, %dma_wait3A_24] : memref<32x79x128xi32, #tpu.memory_space<hbm>> -> memref<1x79x128xi32, #tpu.memory_space<hbm>>
      %dma_wait3A_26 = tpu.memref_squeeze %dma_wait3A_25 : memref<1x79x128xi32, #tpu.memory_space<hbm>> -> memref<79x128xi32, #tpu.memory_space<hbm>>
      tpu.wait_dma2 semaphore(%run_scoped3A : memref<!tpu.dma_semaphore, #tpu.memory_space<semaphore_mem>>) src(%dma_wait3A_26 : memref<79x128xi32, #tpu.memory_space<hbm>>) dst(%arg8 : memref<79x128xi32, #tpu.memory_space<vmem>>)
      tpu.yield
    }) : () -> ()
    %scan3A = arith.constant 0 : i32
    %scan3A_3 = arith.constant 0 : i32
    %scan3A_4 = arith.constant 79 : i32
    %scan3A_5 = arith.addi %scan3A_3, %scan3A_4 : i32
    %scan3A_6 = arith.constant 1 : i32
    scf.for %scan3A_13 = %scan3A_3 to %scan3A_5 step %scan3A_6  : i32 {
      %dma_start3A = arith.constant 0 : i32
      %dma_start3A_14 = tpu.memref_slice %arg7[%scan3A_13, %dma_start3A] : memref<79x128xi32, #tpu.memory_space<vmem>> -> memref<1x128xi32, #tpu.memory_space<vmem>>
      %dma_start3A_15 = tpu.memref_squeeze %dma_start3A_14 : memref<1x128xi32, #tpu.memory_space<vmem>> -> memref<128xi32, #tpu.memory_space<vmem>>
      %dma_start3A_16 = arith.constant 0 : i32
      %dma_start3A_17 = arith.constant 0 : i32
      %dma_start3A_18 = tpu.memref_slice %arg2[%dma_start3A_16, %dma_start3A_17] : memref<10000x128xf32, #tpu.memory_space<hbm>> -> memref<10000x128xf32, #tpu.memory_space<hbm>>
      tpu.enqueue_indirect_dma source(%dma_start3A_18 : memref<10000x128xf32, #tpu.memory_space<hbm>>) target(%arg9 : memref<128x128xf32, #tpu.memory_space<vmem>>) offsets(%dma_start3A_15 : memref<128xi32, #tpu.memory_space<vmem>>) semaphore(%arg11 : memref<!tpu.dma_semaphore, #tpu.memory_space<semaphore_mem>>)
      %dma_wait3A = arith.constant 0 : i32
      %dma_wait3A_19 = tpu.memref_slice %arg7[%scan3A_13, %dma_wait3A] : memref<79x128xi32, #tpu.memory_space<vmem>> -> memref<1x128xi32, #tpu.memory_space<vmem>>
      %dma_wait3A_20 = tpu.memref_squeeze %dma_wait3A_19 : memref<1x128xi32, #tpu.memory_space<vmem>> -> memref<128xi32, #tpu.memory_space<vmem>>
      %dma_wait3A_21 = arith.constant 0 : i32
      %dma_wait3A_22 = arith.constant 0 : i32
      %dma_wait3A_23 = tpu.memref_slice %arg2[%dma_wait3A_21, %dma_wait3A_22] : memref<10000x128xf32, #tpu.memory_space<hbm>> -> memref<10000x128xf32, #tpu.memory_space<hbm>>
      tpu.wait_indirect_dma semaphore(%arg11 : memref<!tpu.dma_semaphore, #tpu.memory_space<semaphore_mem>>) src(%dma_wait3A_23 : memref<10000x128xf32, #tpu.memory_space<hbm>>) dst(%arg9 : memref<128x128xf32, #tpu.memory_space<vmem>>)
      "tpu.region"() ({
        %run_scoped3A = tpu.sem_alloc : memref<!tpu.dma_semaphore, #tpu.memory_space<semaphore_mem>>
        %dma_start3A_24 = arith.constant 0 : i32
        %dma_start3A_25 = tpu.memref_slice %arg8[%scan3A_13, %dma_start3A_24] : memref<79x128xi32, #tpu.memory_space<vmem>> -> memref<1x128xi32, #tpu.memory_space<vmem>>
        %dma_start3A_26 = tpu.memref_squeeze %dma_start3A_25 : memref<1x128xi32, #tpu.memory_space<vmem>> -> memref<128xi32, #tpu.memory_space<vmem>>
        %dma_start3A_27 = arith.constant 0 : i32
        %dma_start3A_28 = arith.constant 0 : i32
        %dma_start3A_29 = tpu.memref_slice %arg10[%dma_start3A_27, %dma_start3A_28] : memref<10240x128xf32, #tpu.memory_space<vmem_shared>> -> memref<10240x128xf32, #tpu.memory_space<vmem_shared>>
        tpu.enqueue_indirect_dma source(%arg9 : memref<128x128xf32, #tpu.memory_space<vmem>>) target(%dma_start3A_29 : memref<10240x128xf32, #tpu.memory_space<vmem_shared>>) offsets(%dma_start3A_26 : memref<128xi32, #tpu.memory_space<vmem>>) semaphore(%run_scoped3A : memref<!tpu.dma_semaphore, #tpu.memory_space<semaphore_mem>>) {add = true}
        %dma_wait3A_30 = arith.constant 0 : i32
        %dma_wait3A_31 = tpu.memref_slice %arg8[%scan3A_13, %dma_wait3A_30] : memref<79x128xi32, #tpu.memory_space<vmem>> -> memref<1x128xi32, #tpu.memory_space<vmem>>
        %dma_wait3A_32 = tpu.memref_squeeze %dma_wait3A_31 : memref<1x128xi32, #tpu.memory_space<vmem>> -> memref<128xi32, #tpu.memory_space<vmem>>
        %dma_wait3A_33 = arith.constant 0 : i32
        %dma_wait3A_34 = arith.constant 0 : i32
        %dma_wait3A_35 = tpu.memref_slice %arg10[%dma_wait3A_33, %dma_wait3A_34] : memref<10240x128xf32, #tpu.memory_space<vmem_shared>> -> memref<10240x128xf32, #tpu.memory_space<vmem_shared>>
        tpu.wait_indirect_dma semaphore(%run_scoped3A : memref<!tpu.dma_semaphore, #tpu.memory_space<semaphore_mem>>) src(%arg9 : memref<128x128xf32, #tpu.memory_space<vmem>>) dst(%dma_wait3A_35 : memref<10240x128xf32, #tpu.memory_space<vmem_shared>>)
        tpu.yield
      }) : () -> ()
    }
    %scan3A_7 = arith.constant 79 : i32
    %barrier3A_8 = arith.constant 0 : index
    tpu.barrier barrier_id(%barrier3A_8)
    %mul3A_9 = arith.constant 640 : i32
    %mul3A_10 = arith.muli %arg1, %mul3A_9 : i32
    %mul3A_11 = arith.constant 640 : i32
    %mul3A_12 = arith.muli %arg1, %mul3A_11 : i32
    "tpu.region"() ({
      %run_scoped3A = tpu.sem_alloc : memref<!tpu.dma_semaphore, #tpu.memory_space<semaphore_mem>>
      %dma_start3A = arith.constant 0 : i32
      %dma_start3A_13 = tpu.memref_slice %arg6[%arg0, %mul3A_12, %dma_start3A] : memref<2x10240x128xf32, #tpu.memory_space<hbm>> -> memref<1x640x128xf32, #tpu.memory_space<hbm>>
      %dma_start3A_14 = tpu.memref_squeeze %dma_start3A_13 : memref<1x640x128xf32, #tpu.memory_space<hbm>> -> memref<640x128xf32, #tpu.memory_space<hbm>>
      %dma_start3A_15 = arith.constant 0 : i32
      %dma_start3A_16 = tpu.memref_slice %arg10[%mul3A_10, %dma_start3A_15] : memref<10240x128xf32, #tpu.memory_space<vmem_shared>> -> memref<640x128xf32, #tpu.memory_space<vmem_shared>>
      tpu.enqueue_dma source(%dma_start3A_16 : memref<640x128xf32, #tpu.memory_space<vmem_shared>>) target(%dma_start3A_14 : memref<640x128xf32, #tpu.memory_space<hbm>>) target_semaphore(%run_scoped3A : memref<!tpu.dma_semaphore, #tpu.memory_space<semaphore_mem>>)
      %dma_wait3A = arith.constant 0 : i32
      %dma_wait3A_17 = tpu.memref_slice %arg6[%arg0, %mul3A_12, %dma_wait3A] : memref<2x10240x128xf32, #tpu.memory_space<hbm>> -> memref<1x640x128xf32, #tpu.memory_space<hbm>>
      %dma_wait3A_18 = tpu.memref_squeeze %dma_wait3A_17 : memref<1x640x128xf32, #tpu.memory_space<hbm>> -> memref<640x128xf32, #tpu.memory_space<hbm>>
      %dma_wait3A_19 = arith.constant 0 : i32
      %dma_wait3A_20 = tpu.memref_slice %arg10[%mul3A_10, %dma_wait3A_19] : memref<10240x128xf32, #tpu.memory_space<vmem_shared>> -> memref<640x128xf32, #tpu.memory_space<vmem_shared>>
      tpu.wait_dma2 semaphore(%run_scoped3A : memref<!tpu.dma_semaphore, #tpu.memory_space<semaphore_mem>>) src(%dma_wait3A_20 : memref<640x128xf32, #tpu.memory_space<vmem_shared>>) dst(%dma_wait3A_18 : memref<640x128xf32, #tpu.memory_space<hbm>>)
      tpu.yield
    }) : () -> ()
    return
  }
}

#map = affine_map<(d0, d1) -> (0, 0)>
#map1 = affine_map<(d0, d1) -> (0, 0, 0, 0)>
module attributes {stable_mosaic.version = 14 : i64} {
  func.func @_sc_edge_body(%arg0: i32, %arg1: i32, %arg2: memref<10000x128xf32, #tpu.memory_space<hbm>>, %arg3: memref<20x16x8x128xi32, #tpu.memory_space<hbm>>, %arg4: memref<20x16x8x128xi32, #tpu.memory_space<hbm>>, %arg5: memref<640x128xf32, #tpu.memory_space<hbm>>, %arg6: memref<163840x128xf32, #tpu.memory_space<hbm>>, %arg7: memref<8x128xi32, #tpu.memory_space<vmem>>, %arg8: memref<8x128xi32, #tpu.memory_space<vmem>>, %arg9: memref<128x128xf32, #tpu.memory_space<vmem>>, %arg10: memref<8192x128xf32, #tpu.memory_space<vmem_shared>>, %arg11: memref<!tpu.dma_semaphore, #tpu.memory_space<semaphore_mem>>) attributes {dimension_semantics = [#tpu.dimension_semantics<core_parallel>, #tpu.dimension_semantics<subcore_parallel>], iteration_bounds = array<i64: 2, 16>, scalar_prefetch = 0 : i64, scratch_operands = 5 : i64, tpu.core_type = #tpu.core_type<sc_vector_subcore>, window_params = [{transform_indices = #map}, {transform_indices = #map1}, {transform_indices = #map1}, {transform_indices = #map}, {transform_indices = #map}]} {
    %scan3A = arith.constant 0 : i32
    %scan3A_0 = arith.constant 0 : i32
    %scan3A_1 = arith.constant 10 : i32
    %scan3A_2 = arith.addi %scan3A_0, %scan3A_1 : i32
    %scan3A_3 = arith.constant 1 : i32
    scf.for %scan3A_5 = %scan3A_0 to %scan3A_2 step %scan3A_3  : i32 {
      %mul3A = arith.constant 2 : i32
      %mul3A_6 = arith.muli %scan3A_5, %mul3A : i32
      %add3A = arith.addi %mul3A_6, %arg0 : i32
      %mul3A_7 = arith.constant 512 : i32
      %mul3A_8 = arith.muli %arg1, %mul3A_7 : i32
      "tpu.region"() ({
        %run_scoped3A = tpu.sem_alloc : memref<!tpu.dma_semaphore, #tpu.memory_space<semaphore_mem>>
        %dma_start3A = arith.constant 0 : i32
        %dma_start3A_23 = tpu.memref_slice %arg10[%mul3A_8, %dma_start3A] : memref<8192x128xf32, #tpu.memory_space<vmem_shared>> -> memref<512x128xf32, #tpu.memory_space<vmem_shared>>
        %dma_start3A_24 = arith.constant 0 : i32
        %dma_start3A_25 = arith.constant 0 : i32
        %dma_start3A_26 = tpu.memref_slice %arg5[%dma_start3A_24, %dma_start3A_25] : memref<640x128xf32, #tpu.memory_space<hbm>> -> memref<512x128xf32, #tpu.memory_space<hbm>>
        tpu.enqueue_dma source(%dma_start3A_26 : memref<512x128xf32, #tpu.memory_space<hbm>>) target(%dma_start3A_23 : memref<512x128xf32, #tpu.memory_space<vmem_shared>>) target_semaphore(%run_scoped3A : memref<!tpu.dma_semaphore, #tpu.memory_space<semaphore_mem>>)
        %dma_wait3A = arith.constant 0 : i32
        %dma_wait3A_27 = tpu.memref_slice %arg10[%mul3A_8, %dma_wait3A] : memref<8192x128xf32, #tpu.memory_space<vmem_shared>> -> memref<512x128xf32, #tpu.memory_space<vmem_shared>>
        %dma_wait3A_28 = arith.constant 0 : i32
        %dma_wait3A_29 = arith.constant 0 : i32
        %dma_wait3A_30 = tpu.memref_slice %arg5[%dma_wait3A_28, %dma_wait3A_29] : memref<640x128xf32, #tpu.memory_space<hbm>> -> memref<512x128xf32, #tpu.memory_space<hbm>>
        tpu.wait_dma2 semaphore(%run_scoped3A : memref<!tpu.dma_semaphore, #tpu.memory_space<semaphore_mem>>) src(%dma_wait3A_30 : memref<512x128xf32, #tpu.memory_space<hbm>>) dst(%dma_wait3A_27 : memref<512x128xf32, #tpu.memory_space<vmem_shared>>)
        tpu.yield
      }) : () -> ()
      %barrier3A = arith.constant 0 : index
      tpu.barrier barrier_id(%barrier3A)
      "tpu.region"() ({
        %run_scoped3A = tpu.sem_alloc : memref<!tpu.dma_semaphore, #tpu.memory_space<semaphore_mem>>
        %dma_start3A = arith.constant 0 : i32
        %dma_start3A_23 = arith.constant 0 : i32
        %dma_start3A_24 = tpu.memref_slice %arg3[%add3A, %arg1, %dma_start3A, %dma_start3A_23] : memref<20x16x8x128xi32, #tpu.memory_space<hbm>> -> memref<1x1x8x128xi32, #tpu.memory_space<hbm>>
        %dma_start3A_25 = tpu.memref_squeeze %dma_start3A_24 : memref<1x1x8x128xi32, #tpu.memory_space<hbm>> -> memref<8x128xi32, #tpu.memory_space<hbm>>
        %dma_start3A_26 = arith.constant 0 : i32
        %dma_start3A_27 = arith.constant 0 : i32
        %dma_start3A_28 = tpu.memref_slice %arg3[%add3A, %arg1, %dma_start3A_26, %dma_start3A_27] : memref<20x16x8x128xi32, #tpu.memory_space<hbm>> -> memref<1x1x8x128xi32, #tpu.memory_space<hbm>>
        %dma_start3A_29 = tpu.memref_squeeze %dma_start3A_28 : memref<1x1x8x128xi32, #tpu.memory_space<hbm>> -> memref<8x128xi32, #tpu.memory_space<hbm>>
        tpu.enqueue_dma source(%dma_start3A_29 : memref<8x128xi32, #tpu.memory_space<hbm>>) target(%arg7 : memref<8x128xi32, #tpu.memory_space<vmem>>) target_semaphore(%run_scoped3A : memref<!tpu.dma_semaphore, #tpu.memory_space<semaphore_mem>>)
        %dma_wait3A = arith.constant 0 : i32
        %dma_wait3A_30 = arith.constant 0 : i32
        %dma_wait3A_31 = tpu.memref_slice %arg3[%add3A, %arg1, %dma_wait3A, %dma_wait3A_30] : memref<20x16x8x128xi32, #tpu.memory_space<hbm>> -> memref<1x1x8x128xi32, #tpu.memory_space<hbm>>
        %dma_wait3A_32 = tpu.memref_squeeze %dma_wait3A_31 : memref<1x1x8x128xi32, #tpu.memory_space<hbm>> -> memref<8x128xi32, #tpu.memory_space<hbm>>
        %dma_wait3A_33 = arith.constant 0 : i32
        %dma_wait3A_34 = arith.constant 0 : i32
        %dma_wait3A_35 = tpu.memref_slice %arg3[%add3A, %arg1, %dma_wait3A_33, %dma_wait3A_34] : memref<20x16x8x128xi32, #tpu.memory_space<hbm>> -> memref<1x1x8x128xi32, #tpu.memory_space<hbm>>
        %dma_wait3A_36 = tpu.memref_squeeze %dma_wait3A_35 : memref<1x1x8x128xi32, #tpu.memory_space<hbm>> -> memref<8x128xi32, #tpu.memory_space<hbm>>
        tpu.wait_dma2 semaphore(%run_scoped3A : memref<!tpu.dma_semaphore, #tpu.memory_space<semaphore_mem>>) src(%dma_wait3A_36 : memref<8x128xi32, #tpu.memory_space<hbm>>) dst(%arg7 : memref<8x128xi32, #tpu.memory_space<vmem>>)
        tpu.yield
      }) : () -> ()
      "tpu.region"() ({
        %run_scoped3A = tpu.sem_alloc : memref<!tpu.dma_semaphore, #tpu.memory_space<semaphore_mem>>
        %dma_start3A = arith.constant 0 : i32
        %dma_start3A_23 = arith.constant 0 : i32
        %dma_start3A_24 = tpu.memref_slice %arg4[%add3A, %arg1, %dma_start3A, %dma_start3A_23] : memref<20x16x8x128xi32, #tpu.memory_space<hbm>> -> memref<1x1x8x128xi32, #tpu.memory_space<hbm>>
        %dma_start3A_25 = tpu.memref_squeeze %dma_start3A_24 : memref<1x1x8x128xi32, #tpu.memory_space<hbm>> -> memref<8x128xi32, #tpu.memory_space<hbm>>
        %dma_start3A_26 = arith.constant 0 : i32
        %dma_start3A_27 = arith.constant 0 : i32
        %dma_start3A_28 = tpu.memref_slice %arg4[%add3A, %arg1, %dma_start3A_26, %dma_start3A_27] : memref<20x16x8x128xi32, #tpu.memory_space<hbm>> -> memref<1x1x8x128xi32, #tpu.memory_space<hbm>>
        %dma_start3A_29 = tpu.memref_squeeze %dma_start3A_28 : memref<1x1x8x128xi32, #tpu.memory_space<hbm>> -> memref<8x128xi32, #tpu.memory_space<hbm>>
        tpu.enqueue_dma source(%dma_start3A_29 : memref<8x128xi32, #tpu.memory_space<hbm>>) target(%arg8 : memref<8x128xi32, #tpu.memory_space<vmem>>) target_semaphore(%run_scoped3A : memref<!tpu.dma_semaphore, #tpu.memory_space<semaphore_mem>>)
        %dma_wait3A = arith.constant 0 : i32
        %dma_wait3A_30 = arith.constant 0 : i32
        %dma_wait3A_31 = tpu.memref_slice %arg4[%add3A, %arg1, %dma_wait3A, %dma_wait3A_30] : memref<20x16x8x128xi32, #tpu.memory_space<hbm>> -> memref<1x1x8x128xi32, #tpu.memory_space<hbm>>
        %dma_wait3A_32 = tpu.memref_squeeze %dma_wait3A_31 : memref<1x1x8x128xi32, #tpu.memory_space<hbm>> -> memref<8x128xi32, #tpu.memory_space<hbm>>
        %dma_wait3A_33 = arith.constant 0 : i32
        %dma_wait3A_34 = arith.constant 0 : i32
        %dma_wait3A_35 = tpu.memref_slice %arg4[%add3A, %arg1, %dma_wait3A_33, %dma_wait3A_34] : memref<20x16x8x128xi32, #tpu.memory_space<hbm>> -> memref<1x1x8x128xi32, #tpu.memory_space<hbm>>
        %dma_wait3A_36 = tpu.memref_squeeze %dma_wait3A_35 : memref<1x1x8x128xi32, #tpu.memory_space<hbm>> -> memref<8x128xi32, #tpu.memory_space<hbm>>
        tpu.wait_dma2 semaphore(%run_scoped3A : memref<!tpu.dma_semaphore, #tpu.memory_space<semaphore_mem>>) src(%dma_wait3A_36 : memref<8x128xi32, #tpu.memory_space<hbm>>) dst(%arg8 : memref<8x128xi32, #tpu.memory_space<vmem>>)
        tpu.yield
      }) : () -> ()
      %scan3A_9 = arith.constant 0 : i32
      %scan3A_10 = arith.constant 0 : i32
      %scan3A_11 = arith.constant 8 : i32
      %scan3A_12 = arith.addi %scan3A_10, %scan3A_11 : i32
      %scan3A_13 = arith.constant 1 : i32
      scf.for %scan3A_23 = %scan3A_10 to %scan3A_12 step %scan3A_13  : i32 {
        %dma_start3A = arith.constant 0 : i32
        %dma_start3A_24 = tpu.memref_slice %arg7[%scan3A_23, %dma_start3A] : memref<8x128xi32, #tpu.memory_space<vmem>> -> memref<1x128xi32, #tpu.memory_space<vmem>>
        %dma_start3A_25 = tpu.memref_squeeze %dma_start3A_24 : memref<1x128xi32, #tpu.memory_space<vmem>> -> memref<128xi32, #tpu.memory_space<vmem>>
        %dma_start3A_26 = arith.constant 0 : i32
        %dma_start3A_27 = arith.constant 0 : i32
        %dma_start3A_28 = tpu.memref_slice %arg2[%dma_start3A_26, %dma_start3A_27] : memref<10000x128xf32, #tpu.memory_space<hbm>> -> memref<10000x128xf32, #tpu.memory_space<hbm>>
        tpu.enqueue_indirect_dma source(%dma_start3A_28 : memref<10000x128xf32, #tpu.memory_space<hbm>>) target(%arg9 : memref<128x128xf32, #tpu.memory_space<vmem>>) offsets(%dma_start3A_25 : memref<128xi32, #tpu.memory_space<vmem>>) semaphore(%arg11 : memref<!tpu.dma_semaphore, #tpu.memory_space<semaphore_mem>>)
        %dma_wait3A = arith.constant 0 : i32
        %dma_wait3A_29 = tpu.memref_slice %arg7[%scan3A_23, %dma_wait3A] : memref<8x128xi32, #tpu.memory_space<vmem>> -> memref<1x128xi32, #tpu.memory_space<vmem>>
        %dma_wait3A_30 = tpu.memref_squeeze %dma_wait3A_29 : memref<1x128xi32, #tpu.memory_space<vmem>> -> memref<128xi32, #tpu.memory_space<vmem>>
        %dma_wait3A_31 = arith.constant 0 : i32
        %dma_wait3A_32 = arith.constant 0 : i32
        %dma_wait3A_33 = tpu.memref_slice %arg2[%dma_wait3A_31, %dma_wait3A_32] : memref<10000x128xf32, #tpu.memory_space<hbm>> -> memref<10000x128xf32, #tpu.memory_space<hbm>>
        tpu.wait_indirect_dma semaphore(%arg11 : memref<!tpu.dma_semaphore, #tpu.memory_space<semaphore_mem>>) src(%dma_wait3A_33 : memref<10000x128xf32, #tpu.memory_space<hbm>>) dst(%arg9 : memref<128x128xf32, #tpu.memory_space<vmem>>)
        "tpu.region"() ({
          %run_scoped3A = tpu.sem_alloc : memref<!tpu.dma_semaphore, #tpu.memory_space<semaphore_mem>>
          %dma_start3A_34 = arith.constant 0 : i32
          %dma_start3A_35 = tpu.memref_slice %arg8[%scan3A_23, %dma_start3A_34] : memref<8x128xi32, #tpu.memory_space<vmem>> -> memref<1x128xi32, #tpu.memory_space<vmem>>
          %dma_start3A_36 = tpu.memref_squeeze %dma_start3A_35 : memref<1x128xi32, #tpu.memory_space<vmem>> -> memref<128xi32, #tpu.memory_space<vmem>>
          %dma_start3A_37 = arith.constant 0 : i32
          %dma_start3A_38 = arith.constant 0 : i32
          %dma_start3A_39 = tpu.memref_slice %arg10[%dma_start3A_37, %dma_start3A_38] : memref<8192x128xf32, #tpu.memory_space<vmem_shared>> -> memref<8192x128xf32, #tpu.memory_space<vmem_shared>>
          tpu.enqueue_indirect_dma source(%arg9 : memref<128x128xf32, #tpu.memory_space<vmem>>) target(%dma_start3A_39 : memref<8192x128xf32, #tpu.memory_space<vmem_shared>>) offsets(%dma_start3A_36 : memref<128xi32, #tpu.memory_space<vmem>>) semaphore(%run_scoped3A : memref<!tpu.dma_semaphore, #tpu.memory_space<semaphore_mem>>) {add = true}
          %dma_wait3A_40 = arith.constant 0 : i32
          %dma_wait3A_41 = tpu.memref_slice %arg8[%scan3A_23, %dma_wait3A_40] : memref<8x128xi32, #tpu.memory_space<vmem>> -> memref<1x128xi32, #tpu.memory_space<vmem>>
          %dma_wait3A_42 = tpu.memref_squeeze %dma_wait3A_41 : memref<1x128xi32, #tpu.memory_space<vmem>> -> memref<128xi32, #tpu.memory_space<vmem>>
          %dma_wait3A_43 = arith.constant 0 : i32
          %dma_wait3A_44 = arith.constant 0 : i32
          %dma_wait3A_45 = tpu.memref_slice %arg10[%dma_wait3A_43, %dma_wait3A_44] : memref<8192x128xf32, #tpu.memory_space<vmem_shared>> -> memref<8192x128xf32, #tpu.memory_space<vmem_shared>>
          tpu.wait_indirect_dma semaphore(%run_scoped3A : memref<!tpu.dma_semaphore, #tpu.memory_space<semaphore_mem>>) src(%arg9 : memref<128x128xf32, #tpu.memory_space<vmem>>) dst(%dma_wait3A_45 : memref<8192x128xf32, #tpu.memory_space<vmem_shared>>)
          tpu.yield
        }) : () -> ()
      }
      %scan3A_14 = arith.constant 8 : i32
      %barrier3A_15 = arith.constant 0 : index
      tpu.barrier barrier_id(%barrier3A_15)
      %mul3A_16 = arith.constant 512 : i32
      %mul3A_17 = arith.muli %arg1, %mul3A_16 : i32
      %mul3A_18 = arith.constant 8192 : i32
      %mul3A_19 = arith.muli %add3A, %mul3A_18 : i32
      %mul3A_20 = arith.constant 512 : i32
      %mul3A_21 = arith.muli %arg1, %mul3A_20 : i32
      %add3A_22 = arith.addi %mul3A_19, %mul3A_21 : i32
      "tpu.region"() ({
        %run_scoped3A = tpu.sem_alloc : memref<!tpu.dma_semaphore, #tpu.memory_space<semaphore_mem>>
        %dma_start3A = arith.constant 0 : i32
        %dma_start3A_23 = tpu.memref_slice %arg6[%add3A_22, %dma_start3A] : memref<163840x128xf32, #tpu.memory_space<hbm>> -> memref<512x128xf32, #tpu.memory_space<hbm>>
        %dma_start3A_24 = arith.constant 0 : i32
        %dma_start3A_25 = tpu.memref_slice %arg10[%mul3A_17, %dma_start3A_24] : memref<8192x128xf32, #tpu.memory_space<vmem_shared>> -> memref<512x128xf32, #tpu.memory_space<vmem_shared>>
        tpu.enqueue_dma source(%dma_start3A_25 : memref<512x128xf32, #tpu.memory_space<vmem_shared>>) target(%dma_start3A_23 : memref<512x128xf32, #tpu.memory_space<hbm>>) target_semaphore(%run_scoped3A : memref<!tpu.dma_semaphore, #tpu.memory_space<semaphore_mem>>)
        %dma_wait3A = arith.constant 0 : i32
        %dma_wait3A_26 = tpu.memref_slice %arg6[%add3A_22, %dma_wait3A] : memref<163840x128xf32, #tpu.memory_space<hbm>> -> memref<512x128xf32, #tpu.memory_space<hbm>>
        %dma_wait3A_27 = arith.constant 0 : i32
        %dma_wait3A_28 = tpu.memref_slice %arg10[%mul3A_17, %dma_wait3A_27] : memref<8192x128xf32, #tpu.memory_space<vmem_shared>> -> memref<512x128xf32, #tpu.memory_space<vmem_shared>>
        tpu.wait_dma2 semaphore(%run_scoped3A : memref<!tpu.dma_semaphore, #tpu.memory_space<semaphore_mem>>) src(%dma_wait3A_28 : memref<512x128xf32, #tpu.memory_space<vmem_shared>>) dst(%dma_wait3A_26 : memref<512x128xf32, #tpu.memory_space<hbm>>)
        tpu.yield
      }) : () -> ()
    }
    %scan3A_4 = arith.constant 10 : i32
    return
  }
}

module attributes {stable_mosaic.version = 14 : i64} {
  func.func @_mm2_body(%arg0: i32, %arg1: memref<1000x128xf32, #tpu.memory_space<vmem>>, %arg2: memref<128x128xf32, #tpu.memory_space<vmem>>, %arg3: memref<128x128xf32, #tpu.memory_space<vmem>>, %arg4: memref<1000x128xf32, #tpu.memory_space<vmem>>, %arg5: memref<1000x128xf32, #tpu.memory_space<vmem>>) attributes {dimension_semantics = [#tpu.dimension_semantics<arbitrary>], iteration_bounds = array<i64: 10>, scalar_prefetch = 0 : i64, scratch_operands = 0 : i64, tpu.core_type = #tpu.core_type<tc>, window_params = [{transform_indices = @transform_0, window_bounds = array<i64: 1000, 128>}, {pipeline_mode = #tpu.pipeline_mode<synchronous>, transform_indices = @transform_1, window_bounds = array<i64: 128, 128>}, {pipeline_mode = #tpu.pipeline_mode<synchronous>, transform_indices = @transform_2, window_bounds = array<i64: 128, 128>}, {transform_indices = @transform_3, window_bounds = array<i64: 1000, 128>}, {transform_indices = @transform_4, window_bounds = array<i64: 1000, 128>}]} {
    %get3A = arith.constant 0 : index
    %get3A_0 = arith.constant 0 : index
    %get3A_1 = vector.load %arg1[%get3A, %get3A_0] : memref<1000x128xf32, #tpu.memory_space<vmem>>, vector<1000x128xf32>
    %get3A_2 = arith.constant 0 : index
    %get3A_3 = arith.constant 0 : index
    %get3A_4 = vector.load %arg2[%get3A_2, %get3A_3] : memref<128x128xf32, #tpu.memory_space<vmem>>, vector<128x128xf32>
    %dot_general3A = arith.constant dense<0.000000e+00> : vector<1000x128xf32>
    %dot_general3A_5 = tpu.matmul %get3A_1, %get3A_4, %dot_general3A {dimension_numbers = #tpu.dot_dimension_numbers<[1], [0], [0], [1], [0, 0, 1, 1], [], []>, transpose_lhs_hint = false} : vector<1000x128xf32>, vector<128x128xf32>, vector<1000x128xf32> -> vector<1000x128xf32>
    %swap3A = arith.constant 0 : index
    %swap3A_6 = arith.constant 0 : index
    %swap3A_7 = vector.load %arg4[%swap3A, %swap3A_6] : memref<1000x128xf32, #tpu.memory_space<vmem>>, vector<1000x128xf32>
    tpu.vector_store %arg4[%swap3A, %swap3A_6], %dot_general3A_5 {strides = array<i32>} : memref<1000x128xf32, #tpu.memory_space<vmem>>, vector<1000x128xf32>,
    %get3A_8 = arith.constant 0 : index
    %get3A_9 = arith.constant 0 : index
    %get3A_10 = vector.load %arg3[%get3A_8, %get3A_9] : memref<128x128xf32, #tpu.memory_space<vmem>>, vector<128x128xf32>
    %dot_general3A_11 = arith.constant dense<0.000000e+00> : vector<1000x128xf32>
    %dot_general3A_12 = tpu.matmul %get3A_1, %get3A_10, %dot_general3A_11 {dimension_numbers = #tpu.dot_dimension_numbers<[1], [0], [0], [1], [0, 0, 1, 1], [], []>, transpose_lhs_hint = false} : vector<1000x128xf32>, vector<128x128xf32>, vector<1000x128xf32> -> vector<1000x128xf32>
    %swap3A_13 = arith.constant 0 : index
    %swap3A_14 = arith.constant 0 : index
    %swap3A_15 = vector.load %arg5[%swap3A_13, %swap3A_14] : memref<1000x128xf32, #tpu.memory_space<vmem>>, vector<1000x128xf32>
    tpu.vector_store %arg5[%swap3A_13, %swap3A_14], %dot_general3A_12 {strides = array<i32>} : memref<1000x128xf32, #tpu.memory_space<vmem>>, vector<1000x128xf32>,
    return
  }
  func.func @transform_0(%arg0: i32) -> (i32, i32) {
    %c0_i32 = arith.constant 0 : i32
    %c0_i32_0 = arith.constant 0 : i32
    return %arg0, %c0_i32 : i32, i32
  }
  func.func @transform_1(%arg0: i32) -> (i32, i32) {
    %c0_i32 = arith.constant 0 : i32
    %c0_i32_0 = arith.constant 0 : i32
    %c0_i32_1 = arith.constant 0 : i32
    return %c0_i32, %c0_i32_0 : i32, i32
  }
  func.func @transform_2(%arg0: i32) -> (i32, i32) {
    %c0_i32 = arith.constant 0 : i32
    %c0_i32_0 = arith.constant 0 : i32
    %c0_i32_1 = arith.constant 0 : i32
    return %c0_i32, %c0_i32_0 : i32, i32
  }
  func.func @transform_3(%arg0: i32) -> (i32, i32) {
    %c0_i32 = arith.constant 0 : i32
    %c0_i32_0 = arith.constant 0 : i32
    return %arg0, %c0_i32 : i32, i32
  }
  func.func @transform_4(%arg0: i32) -> (i32, i32) {
    %c0_i32 = arith.constant 0 : i32
    %c0_i32_0 = arith.constant 0 : i32
    return %arg0, %c0_i32 : i32, i32
  }
}

module attributes {stable_mosaic.version = 14 : i64} {
  func.func @_sig2mm_body(%arg0: i32, %arg1: memref<2x1000x128xf32, #tpu.memory_space<vmem>>, %arg2: memref<128x128xf32, #tpu.memory_space<vmem>>, %arg3: memref<1000x128xf32, #tpu.memory_space<vmem>>) attributes {dimension_semantics = [#tpu.dimension_semantics<arbitrary>], iteration_bounds = array<i64: 10>, scalar_prefetch = 0 : i64, scratch_operands = 0 : i64, tpu.core_type = #tpu.core_type<tc>, window_params = [{transform_indices = @transform_0, window_bounds = array<i64: 2, 1000, 128>}, {pipeline_mode = #tpu.pipeline_mode<synchronous>, transform_indices = @transform_1, window_bounds = array<i64: 128, 128>}, {transform_indices = @transform_2, window_bounds = array<i64: 1000, 128>}]} {
    %get3A = arith.constant 0 : index
    %get3A_0 = arith.constant 0 : index
    %get3A_1 = arith.constant 0 : index
    %get3A_2 = vector.load %arg1[%get3A, %get3A_0, %get3A_1] : memref<2x1000x128xf32, #tpu.memory_space<vmem>>, vector<1x1000x128xf32>
    %get3A_3 = vector.shape_cast %get3A_2 : vector<1x1000x128xf32> to vector<1000x128xf32>
    %get3A_4 = arith.constant 1 : index
    %get3A_5 = arith.constant 0 : index
    %get3A_6 = arith.constant 0 : index
    %get3A_7 = vector.load %arg1[%get3A_4, %get3A_5, %get3A_6] : memref<2x1000x128xf32, #tpu.memory_space<vmem>>, vector<1x1000x128xf32>
    %get3A_8 = vector.shape_cast %get3A_7 : vector<1x1000x128xf32> to vector<1000x128xf32>
    %add3A = arith.addf %get3A_3, %get3A_8 : vector<1000x128xf32>
    %logistic3A = arith.negf %add3A : vector<1000x128xf32>
    %logistic3A_9 = math.exp %logistic3A : vector<1000x128xf32>
    %logistic3A_10 = arith.constant 1.000000e+00 : f32
    %logistic3A_11 = vector.broadcast %logistic3A_10 : f32 to vector<1000x128xf32>
    %logistic3A_12 = arith.addf %logistic3A_11, %logistic3A_9 : vector<1000x128xf32>
    %logistic3A_13 = arith.divf %logistic3A_11, %logistic3A_12 : vector<1000x128xf32>
    %get3A_14 = arith.constant 0 : index
    %get3A_15 = arith.constant 0 : index
    %get3A_16 = vector.load %arg2[%get3A_14, %get3A_15] : memref<128x128xf32, #tpu.memory_space<vmem>>, vector<128x128xf32>
    %dot_general3A = arith.constant dense<0.000000e+00> : vector<1000x128xf32>
    %dot_general3A_17 = tpu.matmul %logistic3A_13, %get3A_16, %dot_general3A {dimension_numbers = #tpu.dot_dimension_numbers<[1], [0], [0], [1], [0, 0, 1, 1], [], []>, transpose_lhs_hint = false} : vector<1000x128xf32>, vector<128x128xf32>, vector<1000x128xf32> -> vector<1000x128xf32>
    %swap3A = arith.constant 0 : index
    %swap3A_18 = arith.constant 0 : index
    %swap3A_19 = vector.load %arg3[%swap3A, %swap3A_18] : memref<1000x128xf32, #tpu.memory_space<vmem>>, vector<1000x128xf32>
    tpu.vector_store %arg3[%swap3A, %swap3A_18], %dot_general3A_17 {strides = array<i32>} : memref<1000x128xf32, #tpu.memory_space<vmem>>, vector<1000x128xf32>,
    return
  }
  func.func @transform_0(%arg0: i32) -> (i32, i32, i32) {
    %c0_i32 = arith.constant 0 : i32
    %c0_i32_0 = arith.constant 0 : i32
    %c0_i32_1 = arith.constant 0 : i32
    return %c0_i32, %arg0, %c0_i32_0 : i32, i32, i32
  }
  func.func @transform_1(%arg0: i32) -> (i32, i32) {
    %c0_i32 = arith.constant 0 : i32
    %c0_i32_0 = arith.constant 0 : i32
    %c0_i32_1 = arith.constant 0 : i32
    return %c0_i32, %c0_i32_0 : i32, i32
  }
  func.func @transform_2(%arg0: i32) -> (i32, i32) {
    %c0_i32 = arith.constant 0 : i32
    %c0_i32_0 = arith.constant 0 : i32
    return %arg0, %c0_i32 : i32, i32
  }
}

module attributes {stable_mosaic.version = 14 : i64} {
  func.func @_merge_body(%arg0: i32, %arg1: memref<2x1000x128xf32, #tpu.memory_space<vmem>>, %arg2: memref<2x1000x128xf32, #tpu.memory_space<vmem>>, %arg3: memref<1000x128xf32, #tpu.memory_space<vmem>>) attributes {dimension_semantics = [#tpu.dimension_semantics<arbitrary>], iteration_bounds = array<i64: 10>, scalar_prefetch = 0 : i64, scratch_operands = 0 : i64, tpu.core_type = #tpu.core_type<tc>, window_params = [{transform_indices = @transform_0, window_bounds = array<i64: 2, 1000, 128>}, {transform_indices = @transform_1, window_bounds = array<i64: 2, 1000, 128>}, {transform_indices = @transform_2, window_bounds = array<i64: 1000, 128>}]} {
    %get3A = arith.constant 0 : index
    %get3A_0 = arith.constant 0 : index
    %get3A_1 = arith.constant 0 : index
    %get3A_2 = vector.load %arg1[%get3A, %get3A_0, %get3A_1] : memref<2x1000x128xf32, #tpu.memory_space<vmem>>, vector<1x1000x128xf32>
    %get3A_3 = vector.shape_cast %get3A_2 : vector<1x1000x128xf32> to vector<1000x128xf32>
    %get3A_4 = arith.constant 1 : index
    %get3A_5 = arith.constant 0 : index
    %get3A_6 = arith.constant 0 : index
    %get3A_7 = vector.load %arg1[%get3A_4, %get3A_5, %get3A_6] : memref<2x1000x128xf32, #tpu.memory_space<vmem>>, vector<1x1000x128xf32>
    %get3A_8 = vector.shape_cast %get3A_7 : vector<1x1000x128xf32> to vector<1000x128xf32>
    %add3A = arith.addf %get3A_3, %get3A_8 : vector<1000x128xf32>
    %get3A_9 = arith.constant 0 : index
    %get3A_10 = arith.constant 0 : index
    %get3A_11 = arith.constant 0 : index
    %get3A_12 = vector.load %arg2[%get3A_9, %get3A_10, %get3A_11] : memref<2x1000x128xf32, #tpu.memory_space<vmem>>, vector<1x1000x128xf32>
    %get3A_13 = vector.shape_cast %get3A_12 : vector<1x1000x128xf32> to vector<1000x128xf32>
    %add3A_14 = arith.addf %add3A, %get3A_13 : vector<1000x128xf32>
    %get3A_15 = arith.constant 1 : index
    %get3A_16 = arith.constant 0 : index
    %get3A_17 = arith.constant 0 : index
    %get3A_18 = vector.load %arg2[%get3A_15, %get3A_16, %get3A_17] : memref<2x1000x128xf32, #tpu.memory_space<vmem>>, vector<1x1000x128xf32>
    %get3A_19 = vector.shape_cast %get3A_18 : vector<1x1000x128xf32> to vector<1000x128xf32>
    %add3A_20 = arith.addf %add3A_14, %get3A_19 : vector<1000x128xf32>
    %logistic3A = arith.negf %add3A_20 : vector<1000x128xf32>
    %logistic3A_21 = math.exp %logistic3A : vector<1000x128xf32>
    %logistic3A_22 = arith.constant 1.000000e+00 : f32
    %logistic3A_23 = vector.broadcast %logistic3A_22 : f32 to vector<1000x128xf32>
    %logistic3A_24 = arith.addf %logistic3A_23, %logistic3A_21 : vector<1000x128xf32>
    %logistic3A_25 = arith.divf %logistic3A_23, %logistic3A_24 : vector<1000x128xf32>
    %swap3A = arith.constant 0 : index
    %swap3A_26 = arith.constant 0 : index
    %swap3A_27 = vector.load %arg3[%swap3A, %swap3A_26] : memref<1000x128xf32, #tpu.memory_space<vmem>>, vector<1000x128xf32>
    tpu.vector_store %arg3[%swap3A, %swap3A_26], %logistic3A_25 {strides = array<i32>} : memref<1000x128xf32, #tpu.memory_space<vmem>>, vector<1000x128xf32>,
    return
  }
  func.func @transform_0(%arg0: i32) -> (i32, i32, i32) {
    %c0_i32 = arith.constant 0 : i32
    %c0_i32_0 = arith.constant 0 : i32
    %c0_i32_1 = arith.constant 0 : i32
    return %c0_i32, %arg0, %c0_i32_0 : i32, i32, i32
  }
  func.func @transform_1(%arg0: i32) -> (i32, i32, i32) {
    %c0_i32 = arith.constant 0 : i32
    %c0_i32_0 = arith.constant 0 : i32
    %c0_i32_1 = arith.constant 0 : i32
    return %c0_i32, %arg0, %c0_i32_0 : i32, i32, i32
  }
  func.func @transform_2(%arg0: i32) -> (i32, i32) {
    %c0_i32 = arith.constant 0 : i32
    %c0_i32_0 = arith.constant 0 : i32
    return %arg0, %c0_i32 : i32, i32
  }
}

module attributes {stable_mosaic.version = 14 : i64} {
  func.func @_sigmm_body(%arg0: i32, %arg1: memref<1024x128xf32, #tpu.memory_space<vmem>>, %arg2: memref<128x128xf32, #tpu.memory_space<vmem>>, %arg3: memref<1024x128xf32, #tpu.memory_space<vmem>>) attributes {dimension_semantics = [#tpu.dimension_semantics<arbitrary>], iteration_bounds = array<i64: 160>, scalar_prefetch = 0 : i64, scratch_operands = 0 : i64, tpu.core_type = #tpu.core_type<tc>, window_params = [{transform_indices = @transform_0, window_bounds = array<i64: 1024, 128>}, {pipeline_mode = #tpu.pipeline_mode<synchronous>, transform_indices = @transform_1, window_bounds = array<i64: 128, 128>}, {transform_indices = @transform_2, window_bounds = array<i64: 1024, 128>}]} {
    %get3A = arith.constant 0 : index
    %get3A_0 = arith.constant 0 : index
    %get3A_1 = vector.load %arg1[%get3A, %get3A_0] : memref<1024x128xf32, #tpu.memory_space<vmem>>, vector<1024x128xf32>
    %logistic3A = arith.negf %get3A_1 : vector<1024x128xf32>
    %logistic3A_2 = math.exp %logistic3A : vector<1024x128xf32>
    %logistic3A_3 = arith.constant 1.000000e+00 : f32
    %logistic3A_4 = vector.broadcast %logistic3A_3 : f32 to vector<1024x128xf32>
    %logistic3A_5 = arith.addf %logistic3A_4, %logistic3A_2 : vector<1024x128xf32>
    %logistic3A_6 = arith.divf %logistic3A_4, %logistic3A_5 : vector<1024x128xf32>
    %get3A_7 = arith.constant 0 : index
    %get3A_8 = arith.constant 0 : index
    %get3A_9 = vector.load %arg2[%get3A_7, %get3A_8] : memref<128x128xf32, #tpu.memory_space<vmem>>, vector<128x128xf32>
    %dot_general3A = arith.constant dense<0.000000e+00> : vector<1024x128xf32>
    %dot_general3A_10 = tpu.matmul %logistic3A_6, %get3A_9, %dot_general3A {dimension_numbers = #tpu.dot_dimension_numbers<[1], [0], [0], [1], [0, 0, 1, 1], [], []>, transpose_lhs_hint = false} : vector<1024x128xf32>, vector<128x128xf32>, vector<1024x128xf32> -> vector<1024x128xf32>
    %swap3A = arith.constant 0 : index
    %swap3A_11 = arith.constant 0 : index
    %swap3A_12 = vector.load %arg3[%swap3A, %swap3A_11] : memref<1024x128xf32, #tpu.memory_space<vmem>>, vector<1024x128xf32>
    tpu.vector_store %arg3[%swap3A, %swap3A_11], %dot_general3A_10 {strides = array<i32>} : memref<1024x128xf32, #tpu.memory_space<vmem>>, vector<1024x128xf32>,
    return
  }
  func.func @transform_0(%arg0: i32) -> (i32, i32) {
    %c0_i32 = arith.constant 0 : i32
    %c0_i32_0 = arith.constant 0 : i32
    return %arg0, %c0_i32 : i32, i32
  }
  func.func @transform_1(%arg0: i32) -> (i32, i32) {
    %c0_i32 = arith.constant 0 : i32
    %c0_i32_0 = arith.constant 0 : i32
    %c0_i32_1 = arith.constant 0 : i32
    return %c0_i32, %c0_i32_0 : i32, i32
  }
  func.func @transform_2(%arg0: i32) -> (i32, i32) {
    %c0_i32 = arith.constant 0 : i32
    %c0_i32_0 = arith.constant 0 : i32
    return %arg0, %c0_i32 : i32, i32
  }
}

</mosaic_0001>

<sc_bundles>
// kernel: kernel.10.cloned.1.call-start
scs
__scs_entry_jumppad:
0x0: {  	(pc) =	sbr.rel $0x88, $3  }
0x1: {  	(tag) =	ssettag $0x0;
	lr =	simm.s32 $0x1  }
0x2: {  	[smem:$0x3F98] =	sst lr;
	_ =	strace $0xD0000000  }
0x3: {  	_ = 	snop  }
0x4: {  	_ = 	snop  }
0x5: {  	_ = 	snop  }
0x6: {  	_ = 	snop  }
0x7: {  	_ = 	snop  }
__scs_overlays_trampoline_lowered:
0x8: {  	[smem:$0x3FA7] =	sst s0  }
0x9: {  	[smem:$0x3FA8] =	sst s1  }
0xa: {  	[smem:$0x3FA9] =	sst s2  }
0xb: {  	[smem:$0x3FAA] =	sst s3  }
0xc: {  	[smem:$0x3FAB] =	sst s4  }
0xd: {  	[smem:$0x3FAC] =	sst s5  }
0xe: {  	[smem:$0x3FAD] =	sst s6  }
0xf: {  	[smem:$0x3FAE] =	sst s7  }
0x10: {  	[smem:$0x3FAF] =	sst s8  }
0x11: {  	[smem:$0x3FB0] =	sst s9;
	s0 =	simm.s32 @!p0 $0x0  }
0x12: {  	s1 =	sld [smem:$0x3F96];
	s0 =	simm.s32 @p0 $0x1  }
0x13: {  	[smem:$0x3FB1] =	sst s0;
	s0 =	simm.s32 @!p1 $0x0  }
0x14: {  	s2 =	sld [smem:$0x3F95];
	s0 =	simm.s32 @p1 $0x1  }
0x15: {  	[smem:$0x3FB2] =	sst s0;
	s0 =	simm.s32 @!p2 $0x0  }
0x16: {  	s3 =	sld [smem:$0x3FDB];
	s0 =	simm.s32 @p2 $0x1  }
0x17: {  	s4 =	simm.s32 $0x1BF5;
	[smem:$0x3FB4] =	sst s0  }
0x18: {  	s0 =	sld [smem:$0x3F97];
	_ =	swait.ge [sflag:s4], $0x0  }
0x19: {  	s7 =	sld [smem:$0x3F98]  }
0x1a: {  	s8 =	sadd.s32 $0xFFFFE003, lr  }
0x1b: {  	s9 =	sadd.s32 $0xFFFFFEF7, lr;
	s5 =	simm.s32 $0xFFFFFFFF;
	p2 =	slt.u32 s8, $0xFFFFF086  }
0x1c: {  	p1 =	slt.u32 s9, $0xF7A;
	s5 =	simm.s32 @!p2 $0x0  }
0x1d: {  	s5 =	simm.s32 @p1 $0x1;
	p0 =	seq.s32 s7, s2  }
0x1e: {  	s7 =	smul.u32 @!p0 $0xF7A, s2;
	p2 =	seq.s32 @!p0 s5, $0x0  }
0x1f: {  	s9 =	smul.u32 $0xF7A, s1;
	s8 =	simm.s32 @!p0 $0x1BF5;
	p2 =	por !p2, p0  }
0x20: {  	[sflag:s8] =	ssyncset.s32 @!p0 $0xFFFFF086;
	s6 =	sadd.s32 @!p0 s3, s7;
	s7 =	simm.s32 @!p0 $0x108  }
0x21: {  	s3 =	sadd.s32 s3, s9;
	s6 =	sadd.s32 @!p0 $0x88, s6;
	s7 =	simm.s32 @p2 $0x1082  }
0x22: {  	[simem:s7], [sflag:s8] =	dma.local @!p0 [hbm:s6], $0xF7A  }
0x23: {  	s9 =	sor.u32 $0xD0000000, s2;
	s6 =	simm.s32 $0x108;
	_ =	swait.ge @!p0 [sflag:s8], $0x0  }
0x24: {  	s3 =	sadd.s32 $0x88, s3;
	s6 =	simm.s32 @!p1 $0x1082;
	[sflag:s4] =	ssyncset.s32 $0xFFFFF086  }
0x25: {  	[simem:s6], [sflag:s4] =	dma.local [hbm:s3], $0xF7A  }
0x26: {  	[smem:$0x3F98] =	sst s1;
	(tag) =	ssettag s2;
	_ =	strace s9  }
0x27: {  	s1 =	sld [smem:$0x3FA8]  }
0x28: {  	s2 =	sld [smem:$0x3FA9]  }
0x29: {  	s4 =	sld [smem:$0x3FAB]  }
0x2a: {  	p0 =	seq.s32 s5, $0x0;
	s5 =	sld [smem:$0x3FAC]  }
0x2b: {  	s6 =	sld [smem:$0x3FAD]  }
0x2c: {  	s7 =	sld [smem:$0x3FAE]  }
0x2d: {  	s3 =	simm.s32 $0x108;
	s8 =	sld [smem:$0x3FAF]  }
0x2e: {  	s3 =	simm.s32 @!p0 $0x1082;
	s9 =	sld [smem:$0x3FB0]  }
0x2f: {  	lr =	sadd.s32 s0, s3;
	s0 =	sld [smem:$0x3FA7]  }
0x30: {  	s3 =	sld [smem:$0x3FAA]  }
0x31: {  	[smem:$0x3FB3] =	sst s10  }
0x32: {  	s10 =	sld [smem:$0x3FB1];
	_ =	sdelay $0x3  }
0x33: {  	p0 =	seq.s32 s10, $0x1;
	s10 =	sld [smem:$0x3FB3];
	_ =	sdelay $0x3  }
0x34: {  	[smem:$0x3FB3] =	sst s10  }
0x35: {  	s10 =	sld [smem:$0x3FB2];
	_ =	sdelay $0x3  }
0x36: {  	p1 =	seq.s32 s10, $0x1;
	s10 =	sld [smem:$0x3FB3];
	_ =	sdelay $0x3  }
0x37: {  	[smem:$0x3FB3] =	sst s10  }
0x38: {  	s10 =	sld [smem:$0x3FB4]  }
0x39: {  	_ = 	snop;
	(pc) =	sbr.ind lr, $3  }
0x3a: {  	_ = 	snop  }
0x3b: {  	_ = 	snop  }
0x3c: {  	p2 =	seq.s32 s10, $0x1;
	s10 =	sld [smem:$0x3FB3]  }
0x3d: {  	_ =	shalt  }
0x3e: {  	_ =	shalt  }
0x3f: {  	_ =	shalt  }
0x40: {  	_ =	shalt  }
0x41: {  	_ =	shalt  }
0x42: {  	_ =	shalt  }
0x43: {  	_ =	shalt  }
0x44: {  	_ =	shalt  }
0x45: {  	_ =	shalt  }
0x46: {  	_ =	shalt  }
0x47: {  	_ =	shalt  }
0x48: {  	_ =	shalt  }
0x49: {  	_ =	shalt  }
0x4a: {  	_ =	shalt  }
0x4b: {  	_ =	shalt  }
0x4c: {  	_ =	shalt  }
0x4d: {  	_ =	shalt  }
0x4e: {  	_ =	shalt  }
0x4f: {  	_ =	shalt  }
0x50: {  	_ =	shalt  }
0x51: {  	_ =	shalt  }
0x52: {  	_ =	shalt  }
0x53: {  	_ =	shalt  }
0x54: {  	_ =	shalt  }
0x55: {  	_ =	shalt  }
0x56: {  	_ =	shalt  }
0x57: {  	_ =	shalt  }
0x58: {  	_ =	shalt  }
0x59: {  	_ =	shalt  }
0x5a: {  	_ =	shalt  }
0x5b: {  	_ =	shalt  }
0x5c: {  	_ =	shalt  }
0x5d: {  	_ =	shalt  }
0x5e: {  	_ =	shalt  }
0x5f: {  	_ =	shalt  }
0x60: {  	_ =	shalt  }
0x61: {  	_ =	shalt  }
0x62: {  	_ =	shalt  }
0x63: {  	_ =	shalt  }
0x64: {  	_ =	shalt  }
0x65: {  	_ =	shalt  }
0x66: {  	_ =	shalt  }
0x67: {  	_ =	shalt  }
0x68: {  	_ =	shalt  }
0x69: {  	_ =	shalt  }
0x6a: {  	_ =	shalt  }
0x6b: {  	_ =	shalt  }
0x6c: {  	_ =	shalt  }
0x6d: {  	_ =	shalt  }
0x6e: {  	_ =	shalt  }
0x6f: {  	_ =	shalt  }
0x70: {  	_ =	shalt  }
0x71: {  	_ =	shalt  }
0x72: {  	_ =	shalt  }
0x73: {  	_ =	shalt  }
0x74: {  	_ =	shalt  }
0x75: {  	_ =	shalt  }
0x76: {  	_ =	shalt  }
0x77: {  	_ =	shalt  }
0x78: {  	_ =	shalt  }
0x79: {  	_ =	shalt  }
0x7a: {  	_ =	shalt  }
0x7b: {  	_ =	shalt  }
0x7c: {  	_ =	shalt  }
0x7d: {  	_ =	shalt  }
0x7e: {  	_ =	shalt  }
0x7f: {  	_ =	shalt  }
0x80: {  	_ =	shalt  }
0x81: {  	_ =	shalt  }
0x82: {  	_ =	shalt  }
0x83: {  	_ =	shalt  }
0x84: {  	_ =	shalt  }
0x85: {  	_ =	shalt  }
0x86: {  	_ =	shalt  }
0x87: {  	_ =	shalt  }
.Lfunc_end0:
.L_simem_size_0:
called_computation_lowered:
.L_overlay_start_0:
0x88: {  	s2 =	sld [smem:$0x3FD9]  }
0x89: {  	s3 =	sld [smem:$0x3FFE];
	_ =	sdelay $0x1  }
0x8a: {  	s1 =	srdreg.scid  }
0x8b: {  	s0 =	sand.u32 $0x1, s1  }
0x8c: {  	s17 =	sshll.u32 s0, $0xA;
	s2 =	sadd.s32 s3, s2  }
0x8d: {  	s2 =	sadd.s32 s2, s17  }
0x8e: {  	[smem:$0x3FBF] =	sst s2  }
0x8f: {  	_ = 	snop  }
0x90: {  	s2 =	sld [smem:$0x3FD0];
	(tm) =	ssettm $0x1  }
0x91: {  	s18 =	sld [smem:$0x3FFB];
	_ =	sdelay $0x3  }
0x92: {  	_ =	strace s18  }
0x93: {  	s3 =	sld [smem:$0x3FFC];
	_ =	sdelay $0x3  }
0x94: {  	_ =	strace s3  }
0x95: {  	s3 =	sld [smem:$0x3FFD];
	_ =	sdelay $0x3  }
0x96: {  	_ =	strace s3  }
0x97: {  	_ =	strace $0x8FFFFFFF  }
0x98: {  	s19 =	sld [smem:$0x3FDB];
	_ =	sdelay $0x1  }
0x99: {  	s4 =	simm.s32 $_scs_section_size  }
0x9a: {  	s5 =	simm.s32 $_size__tile_overlayer_lowered;
	s6 =	simm.s32 $_tile_overlayer_lowered  }
0x9b: {  	s22 =	simm.s32 $0x1BFF;
	s21 =	sshll.u32 s6, $0x1;
	s3 =	sadd.s32 s4, s19  }
0x9c: {  	s7 =	simm.s32 $0x0;
	s20 =	sshll.u32 s5, $0x1;
	s5 =	sadd.s32 s21, s3  }
0x9d: {  	[timem:s7], [sflag:s22] =	dma.local [hbm:s5], s20  }
0x9e: {  	_ =	swait.ge [sflag:s22], s20  }
0x9f: {  	s4 =	ssub.s32 $0x0, s20;
	[sflag:s22] =	ssyncset.done $0x0  }
0xa0: {  	[sflag:s22] =	ssyncadd.s32 s4;
	_ =	sdelay $0x1  }
0xa1: {  	s23 =	simm.s32 $0x1B8B  }
0xa2: {  	_ =	swait.ge [sflag:s23], $0x1  }
0xa3: {  	[sflag:s23] =	ssyncset.done $0x0  }
0xa4: {  	s25 =	simm.s32 $0x1B8E;
	s24 =	sld [smem:$0x3FFE];
	[sflag:s23] =	ssyncadd.s32 $0xFFFFFFFF  }
0xa5: {  	s26 =	simm.s32 $execute0_lowered;
	[smem:$0x3FD2] =	sst s25  }
0xa6: {  	s5 =	sshll.u32 s26, $0x1;
	_ =	strace $0x80000046;
	[dreg:$0x1] =	wrdreg $0xFFFFFFFF  }
0xa7: {  	s28 =	simm.s32 $_size_execute0_lowered;
	s3 =	sadd.s32 s3, s5;
	[dreg:$0x0] =	wrdreg $0x0  }
0xa8: {  	s5 =	sshll.u32 s28, $0x1;
	[dreg:$0x2] =	wrdreg s3  }
0xa9: {  	[dreg:$0x3] =	wrdreg s5  }
0xaa: {  	[dreg:$0x4] =	wrdreg $0xC0  }
0xab: {  	_ =	task [dreg:s7], $0x5FFFF  }
0xac: {  	[dreg:$0x1] =	wrdreg $0xFFFFFFFF  }
0xad: {  	[dreg:$0x0] =	wrdreg $0x60  }
0xae: {  	[dreg:$0x2] =	wrdreg s2  }
0xaf: {  	[dreg:$0x3] =	wrdreg s24  }
0xb0: {  	[dreg:$0x4] =	wrdreg $0x90000  }
0xb1: {  	[dreg:$0x5] =	wrdreg $0xA  }
0xb2: {  	_ =	task.clear_ibuf [dreg:s7], $0x6FFFF;
	_ =	strace $0x90000046  }
0xb3: {  	s29 =	simm.s32 $0xA;
	_ =	strace $0x80000048  }
0xb4: {  	_ =	swait.ge [sflag:s29], $0x1  }
0xb5: {  	[sflag:s29] =	ssyncadd.s32 $0xFFFFFFFF  }
0xb6: {  	_ =	strace $0x90000048  }
0xb7: {  	_ =	sfence  }
0xb8: {  	s30 =	sld [smem:$0x0];
	_ =	sdelay $0x2  }
0xb9: {  	s31 =	sshll.u32 s1, $0xD;
	s1 =	sshrl.u32 s1, $0x2  }
0xba: {  	s3 =	sand.u32 $0x4000, s31;
	s1 =	sadd.s32 s1, s30  }
0xbb: {  	s0 =	sor.u32 s3, s0;
	s1 =	sshll.u32 s1, $0x11  }
0xbc: {  	s0 =	sor.u32 s1, s0  }
0xbd: {  	s0 =	sadd.s32 $0x8F2B, s0  }
0xbe: {  	[sflag:s0] =	ssyncadd.remote.s32 $0x1  }
0xbf: {  	_ =	sfence.sel $0xFFFF  }
0xc0: {  	[dreg:$0x0] =	wrdreg $0xFFFFFFFF;
	(pc) =	sbr.abs _section_cstart, $3  }
0xc1: {  	[dreg:$0x1] =	wrdreg $0xFFFFFFFF  }
0xc2: {  	_ =	task.clear_ibuf [dreg:s7], $0x2FFFF;
	_ =	strace $0x9FFFFFFF  }
0xc3: {  	(tm) =	ssettm $0x7FFFFFFF  }
tec
execute0_lowered:
.L_overlay_start_1:
0x0: {  	(tag) =	ssettag $0x1  }
0x1: {  	s1 =	rddreg [dreg:$0x0]  }
0x2: {  	s0 =	srdreg.scid;
	s7 =	rddreg [dreg:$0x1]  }
0x3: {  	s3 =	rddreg [dreg:$0x2];
	s4 =	simm.s32 $0x0;
	s14 =	simm.s32 $0x80  }
0x4: {  	s15 =	simm.s32 $0x5000;
	s16 =	simm.s32 $0x1;
	s6 =	sand.u32 $0x1, s0  }
0x5: {  	s17 =	simm.s32 $0x0;
	s0 =	stileid.u32;
	s8 =	smul.u32 $0x140000, s6  }
0x6: {  	[smem:$0x7FF] =	sst s4;
	s2 =	sshll.u32 s6, $0x4;
	s9 =	smul.u32 $0x14000, s0  }
0x7: {  	s28 =	smul.u32 $0x50000, s0;
	s6 =	ssub.s32 $0x2, s6;
	s2 =	sor.u32 s0, s2  }
0x8: {  	s31 =	sshll.u32 s0, $0x6;
	s29 =	sshrl.u32 s6, $0x1;
	s5 =	smul.u32 $0x500, s2  }
0x9: {  	s2 =	rddreg [dreg:$0x3];
	_ =	strace $0x80000047;
	s8 =	sadd.s32 s9, s8  }
0xa: {  	s30 =	sshrl.u32 s28, $0x2;
	s12 =	ssub.s32 s6, s29;
	s6 =	sor.u32 $0x1C02, s31  }
0xb: {  	s8 =	sshrl.u32 s8, $0x3;
	s13 =	sadd.s32 s30, s3;
	s10 =	sadd.s32 s5, s7  }
0xc: {  	s5 =	sadd.s32 $0x3E000, s7;
	s11 =	sadd.s32 s8, s7;
	s7 =	sadd.s32 $0x2E00, s10  }
0xd: {  	s8 =	sadd.s32 $0xCE00, s10;
	s9 =	sadd.s32 $0x40800, s11;
	s10 =	smax.u32 s12, $0x1  }
0xe: {  	s11 =	sshrl.u32 s13, $0x3;
	s12 =	simm.s32 $0x2;
	s13 =	simm.s32 $0x2800  }
.LBB2_1:
0xf: {  	[spmem:s11], [sflag:s6] =	dma.local [hbm:s5], $0x2800  }
0x10: {  	_ =	swait.ge [sflag:s12], $0x2800  }
0x11: {  	[sflag:s12] =	ssyncset.done $0x0  }
0x12: {  	[sflag:s12] =	ssyncadd.s32 $0xFFFFD800  }
0x13: {  	[bflag:$0x0] =	sbarrier.arrive $0xFFFF  }
0x14: {  	[tilespmem:s4], [sflag:$0x2] =	stream.linear.gather [hbm4b:s7+s4], $0x2780, $0x38;
	[tilespmem:$0x1D000] =	vst v63  }
0x15: {  	_ =	swait.ge [sflag:s12], $0x2780  }
0x16: {  	[sflag:s12] =	ssyncset.done $0x0  }
0x17: {  	[sflag:s12] =	ssyncadd.s32 $0xFFFFD880  }
0x18: {  	[tilespmem:s13], [sflag:$0x2] =	stream.linear.gather [hbm4b:s8+s4], $0x2780, $0x38;
	[tilespmem:$0x1D000] =	vst v63  }
0x19: {  	_ =	swait.ge [sflag:s12], $0x2780  }
0x1a: {  	[sflag:s12] =	ssyncset.done $0x0  }
0x1b: {  	s18 =	simm.s32 $0x0;
	[sflag:s12] =	ssyncadd.s32 $0xFFFFD880  }
0x1c: {  	[tilespmem:s15], [sflag:$0x1] =	stream.indirect.gather [hbm4b:s1+s14], $0x80, s18, s14, $0xb8;
	[tilespmem:$0x1D000] =	vst v63  }
0x1d: {  	_ =	swait.ge [sflag:s16], $0x4000  }
0x1e: {  	[sflag:s16] =	ssyncset.done $0x0  }
0x1f: {  	s31 =	simm.s32 $0x2800;
	[sflag:s16] =	ssyncadd.s32 $0xFFFFC000  }
0x20: {  	[spmem:s3] =	stream.indirect.scatter.add.f32 [tilespmem:s15], [sflag:$0x2], $0x80, s31, s14, $0xb8;
	[tilespmem:$0x1D000] =	vst v63  }
0x21: {  	_ =	swait.ge [sflag:s12], $0x4000  }
0x22: {  	s19 =	simm.s32 $0x400;
	s18 =	simm.s32 $0x200;
	[sflag:s12] =	ssyncset.done $0x0  }
.LBB2_2:
0x23: {  	s20 =	sshra.s32 s18, $0x2  }
0x24: {  	[sflag:s12] =	ssyncadd.s32 $0xFFFFC000;
	s18 =	smov.u32 s19;
	s21 =	sadd.s32 $0x200, s19  }
0x25: {  	[tilespmem:s15], [sflag:$0x1] =	stream.indirect.gather [hbm4b:s1+s14], $0x80, s20, s14, $0xb8;
	[tilespmem:$0x1D000] =	vst v63  }
0x26: {  	p0 =	sne.s32 s19, $0x9C00;
	_ =	swait.ge [sflag:s16], $0x4000  }
.Ltmp0:
0x27: {  	[sflag:s16] =	ssyncset.done $0x0;
	(pc) =	sbr.rel @p0 .LBB2_2-.Ltmp0, $4  }
0x28: {  	s19 =	sadd.s32 $0x2800, s20;
	[sflag:s16] =	ssyncadd.s32 $0xFFFFC000  }
0x29: {  	[spmem:s3] =	stream.indirect.scatter.add.f32 [tilespmem:s15], [sflag:$0x2], $0x80, s19, s14, $0xb8;
	[tilespmem:$0x1D000] =	vst v63  }
0x2a: {  	_ =	swait.ge [sflag:s12], $0x4000  }
0x2b: {  	s19 =	smov.u32 s21;
	[sflag:s12] =	ssyncset.done $0x0  }
0x2c: {  	s18 =	sshra.s32 s18, $0x2;
	[sflag:s12] =	ssyncadd.s32 $0xFFFFC000  }
0x2d: {  	[tilespmem:s15], [sflag:$0x1] =	stream.indirect.gather [hbm4b:s1+s14], $0x80, s18, s14, $0xb8;
	[tilespmem:$0x1D000] =	vst v63  }
0x2e: {  	_ =	swait.ge [sflag:s16], $0x4000  }
0x2f: {  	[sflag:s16] =	ssyncset.done $0x0  }
0x30: {  	s18 =	sadd.s32 $0x2800, s18;
	[sflag:s16] =	ssyncadd.s32 $0xFFFFC000  }
0x31: {  	[spmem:s3] =	stream.indirect.scatter.add.f32 [tilespmem:s15], [sflag:$0x2], $0x80, s18, s14, $0xb8;
	[tilespmem:$0x1D000] =	vst v63  }
0x32: {  	_ =	swait.ge [sflag:s12], $0x4000  }
0x33: {  	s17 =	sadd.s32 $0x1, s17;
	[sflag:s12] =	ssyncset.done $0x0  }
0x34: {  	p0 =	sne.s32 s17, s10;
	[sflag:s12] =	ssyncadd.s32 $0xFFFFC000  }
.Ltmp1:
0x35: {  	[bflag:$0x0] =	sbarrier.arrive $0xFFFF;
	(pc) =	sbr.rel @p0 .LBB2_1-.Ltmp1, $4  }
0x36: {  	[hbm:s9], [sflag:s6] =	dma.local [spmem:s11], $0x2800  }
0x37: {  	_ =	swait.ge [sflag:s12], $0x2800  }
0x38: {  	[sflag:s12] =	ssyncset.done $0x0  }
0x39: {  	[sflag:s12] =	ssyncadd.s32 $0xFFFFD800  }
0x3a: {  	_ =	sfence.sel $0x180000  }
0x3b: {  	[bflag:$0x0] =	sbarrier.arrive $0xFFFF  }
0x3c: {  	p0 =	sne.s32 s0, $0x0;
	_ =	strace $0x90000047  }
0x3d: {  	s0 =	sadd.s32 @!p0 $0x100000, s2;
	[bflag:$0x2] =	sbarrier.arrive $0xFFFF  }
0x3e: {  	[sflag:s0] =	ssyncadd.tile.s32 @!p0 $0x1;
	_ =	shalt  }
.Lfunc_end2:
_tile_overlayer_lowered:
.L_overlay_start_2:
0x3f: {  	(tag) =	ssettag $0x2  }
0x40: {  	s0 =	rddreg [dreg:$0x0];
	s2 =	stileid.u32  }
0x41: {  	s1 =	rddreg [dreg:$0x1];
	p0 =	sne.s32 s2, $0x0  }
0x42: {  	s3 =	rddreg [dreg:$0x2];
	[bflag:$0x3] =	sbarrier.arrive $0xFFFF;
	s2 =	simm.s32 @!p0 $0x1C02  }
0x43: {  	[timem:s3], [sflag:s2] =	dma.local @!p0 [hbm:s0], s1  }
0x44: {  	s0 =	simm.s32 @!p0 $0x2  }
0x45: {  	_ =	swait.ge @!p0 [sflag:s0], s1  }
0x46: {  	s1 =	ssub.s32 @!p0 $0x0, s1;
	[sflag:s0] =	ssyncset.done @!p0 $0x0  }
0x47: {  	[sflag:s0] =	ssyncadd.s32 @!p0 s1  }
0x48: {  	[bflag:$0x3] =	sbarrier.arrive $0xFFFF  }
0x49: {  	_ =	shalt  }

// kernel: kernel.13.cloned.1.call-start
scs
__scs_entry_jumppad:
0x0: {  	(pc) =	sbr.rel $0x88, $3  }
0x1: {  	(tag) =	ssettag $0x0;
	lr =	simm.s32 $0x1  }
0x2: {  	[smem:$0x3F98] =	sst lr;
	_ =	strace $0xD0000000  }
0x3: {  	_ = 	snop  }
0x4: {  	_ = 	snop  }
0x5: {  	_ = 	snop  }
0x6: {  	_ = 	snop  }
0x7: {  	_ = 	snop  }
__scs_overlays_trampoline_lowered:
0x8: {  	[smem:$0x3FA7] =	sst s0  }
0x9: {  	[smem:$0x3FA8] =	sst s1  }
0xa: {  	[smem:$0x3FA9] =	sst s2  }
0xb: {  	[smem:$0x3FAA] =	sst s3  }
0xc: {  	[smem:$0x3FAB] =	sst s4  }
0xd: {  	[smem:$0x3FAC] =	sst s5  }
0xe: {  	[smem:$0x3FAD] =	sst s6  }
0xf: {  	[smem:$0x3FAE] =	sst s7  }
0x10: {  	[smem:$0x3FAF] =	sst s8  }
0x11: {  	[smem:$0x3FB0] =	sst s9;
	s0 =	simm.s32 @!p0 $0x0  }
0x12: {  	s1 =	sld [smem:$0x3F96];
	s0 =	simm.s32 @p0 $0x1  }
0x13: {  	[smem:$0x3FB1] =	sst s0;
	s0 =	simm.s32 @!p1 $0x0  }
0x14: {  	s2 =	sld [smem:$0x3F95];
	s0 =	simm.s32 @p1 $0x1  }
0x15: {  	[smem:$0x3FB2] =	sst s0;
	s0 =	simm.s32 @!p2 $0x0  }
0x16: {  	s3 =	sld [smem:$0x3FDB];
	s0 =	simm.s32 @p2 $0x1  }
0x17: {  	s4 =	simm.s32 $0x1BF5;
	[smem:$0x3FB4] =	sst s0  }
0x18: {  	s0 =	sld [smem:$0x3F97];
	_ =	swait.ge [sflag:s4], $0x0  }
0x19: {  	s7 =	sld [smem:$0x3F98]  }
0x1a: {  	s8 =	sadd.s32 $0xFFFFE003, lr  }
0x1b: {  	s9 =	sadd.s32 $0xFFFFFEF7, lr;
	s5 =	simm.s32 $0xFFFFFFFF;
	p2 =	slt.u32 s8, $0xFFFFF086  }
0x1c: {  	p1 =	slt.u32 s9, $0xF7A;
	s5 =	simm.s32 @!p2 $0x0  }
0x1d: {  	s5 =	simm.s32 @p1 $0x1;
	p0 =	seq.s32 s7, s2  }
0x1e: {  	s7 =	smul.u32 @!p0 $0xF7A, s2;
	p2 =	seq.s32 @!p0 s5, $0x0  }
0x1f: {  	s9 =	smul.u32 $0xF7A, s1;
	s8 =	simm.s32 @!p0 $0x1BF5;
	p2 =	por !p2, p0  }
0x20: {  	[sflag:s8] =	ssyncset.s32 @!p0 $0xFFFFF086;
	s6 =	sadd.s32 @!p0 s3, s7;
	s7 =	simm.s32 @!p0 $0x108  }
0x21: {  	s3 =	sadd.s32 s3, s9;
	s6 =	sadd.s32 @!p0 $0x88, s6;
	s7 =	simm.s32 @p2 $0x1082  }
0x22: {  	[simem:s7], [sflag:s8] =	dma.local @!p0 [hbm:s6], $0xF7A  }
0x23: {  	s9 =	sor.u32 $0xD0000000, s2;
	s6 =	simm.s32 $0x108;
	_ =	swait.ge @!p0 [sflag:s8], $0x0  }
0x24: {  	s3 =	sadd.s32 $0x88, s3;
	s6 =	simm.s32 @!p1 $0x1082;
	[sflag:s4] =	ssyncset.s32 $0xFFFFF086  }
0x25: {  	[simem:s6], [sflag:s4] =	dma.local [hbm:s3], $0xF7A  }
0x26: {  	[smem:$0x3F98] =	sst s1;
	(tag) =	ssettag s2;
	_ =	strace s9  }
0x27: {  	s1 =	sld [smem:$0x3FA8]  }
0x28: {  	s2 =	sld [smem:$0x3FA9]  }
0x29: {  	s4 =	sld [smem:$0x3FAB]  }
0x2a: {  	p0 =	seq.s32 s5, $0x0;
	s5 =	sld [smem:$0x3FAC]  }
0x2b: {  	s6 =	sld [smem:$0x3FAD]  }
0x2c: {  	s7 =	sld [smem:$0x3FAE]  }
0x2d: {  	s3 =	simm.s32 $0x108;
	s8 =	sld [smem:$0x3FAF]  }
0x2e: {  	s3 =	simm.s32 @!p0 $0x1082;
	s9 =	sld [smem:$0x3FB0]  }
0x2f: {  	lr =	sadd.s32 s0, s3;
	s0 =	sld [smem:$0x3FA7]  }
0x30: {  	s3 =	sld [smem:$0x3FAA]  }
0x31: {  	[smem:$0x3FB3] =	sst s10  }
0x32: {  	s10 =	sld [smem:$0x3FB1];
	_ =	sdelay $0x3  }
0x33: {  	p0 =	seq.s32 s10, $0x1;
	s10 =	sld [smem:$0x3FB3];
	_ =	sdelay $0x3  }
0x34: {  	[smem:$0x3FB3] =	sst s10  }
0x35: {  	s10 =	sld [smem:$0x3FB2];
	_ =	sdelay $0x3  }
0x36: {  	p1 =	seq.s32 s10, $0x1;
	s10 =	sld [smem:$0x3FB3];
	_ =	sdelay $0x3  }
0x37: {  	[smem:$0x3FB3] =	sst s10  }
0x38: {  	s10 =	sld [smem:$0x3FB4]  }
0x39: {  	_ = 	snop;
	(pc) =	sbr.ind lr, $3  }
0x3a: {  	_ = 	snop  }
0x3b: {  	_ = 	snop  }
0x3c: {  	p2 =	seq.s32 s10, $0x1;
	s10 =	sld [smem:$0x3FB3]  }
0x3d: {  	_ =	shalt  }
0x3e: {  	_ =	shalt  }
0x3f: {  	_ =	shalt  }
0x40: {  	_ =	shalt  }
0x41: {  	_ =	shalt  }
0x42: {  	_ =	shalt  }
0x43: {  	_ =	shalt  }
0x44: {  	_ =	shalt  }
0x45: {  	_ =	shalt  }
0x46: {  	_ =	shalt  }
0x47: {  	_ =	shalt  }
0x48: {  	_ =	shalt  }
0x49: {  	_ =	shalt  }
0x4a: {  	_ =	shalt  }
0x4b: {  	_ =	shalt  }
0x4c: {  	_ =	shalt  }
0x4d: {  	_ =	shalt  }
0x4e: {  	_ =	shalt  }
0x4f: {  	_ =	shalt  }
0x50: {  	_ =	shalt  }
0x51: {  	_ =	shalt  }
0x52: {  	_ =	shalt  }
0x53: {  	_ =	shalt  }
0x54: {  	_ =	shalt  }
0x55: {  	_ =	shalt  }
0x56: {  	_ =	shalt  }
0x57: {  	_ =	shalt  }
0x58: {  	_ =	shalt  }
0x59: {  	_ =	shalt  }
0x5a: {  	_ =	shalt  }
0x5b: {  	_ =	shalt  }
0x5c: {  	_ =	shalt  }
0x5d: {  	_ =	shalt  }
0x5e: {  	_ =	shalt  }
0x5f: {  	_ =	shalt  }
0x60: {  	_ =	shalt  }
0x61: {  	_ =	shalt  }
0x62: {  	_ =	shalt  }
0x63: {  	_ =	shalt  }
0x64: {  	_ =	shalt  }
0x65: {  	_ =	shalt  }
0x66: {  	_ =	shalt  }
0x67: {  	_ =	shalt  }
0x68: {  	_ =	shalt  }
0x69: {  	_ =	shalt  }
0x6a: {  	_ =	shalt  }
0x6b: {  	_ =	shalt  }
0x6c: {  	_ =	shalt  }
0x6d: {  	_ =	shalt  }
0x6e: {  	_ =	shalt  }
0x6f: {  	_ =	shalt  }
0x70: {  	_ =	shalt  }
0x71: {  	_ =	shalt  }
0x72: {  	_ =	shalt  }
0x73: {  	_ =	shalt  }
0x74: {  	_ =	shalt  }
0x75: {  	_ =	shalt  }
0x76: {  	_ =	shalt  }
0x77: {  	_ =	shalt  }
0x78: {  	_ =	shalt  }
0x79: {  	_ =	shalt  }
0x7a: {  	_ =	shalt  }
0x7b: {  	_ =	shalt  }
0x7c: {  	_ =	shalt  }
0x7d: {  	_ =	shalt  }
0x7e: {  	_ =	shalt  }
0x7f: {  	_ =	shalt  }
0x80: {  	_ =	shalt  }
0x81: {  	_ =	shalt  }
0x82: {  	_ =	shalt  }
0x83: {  	_ =	shalt  }
0x84: {  	_ =	shalt  }
0x85: {  	_ =	shalt  }
0x86: {  	_ =	shalt  }
0x87: {  	_ =	shalt  }
.Lfunc_end0:
.L_simem_size_0:
called_computation.1_lowered:
.L_overlay_start_0:
0x88: {  	s2 =	sld [smem:$0x3FD9]  }
0x89: {  	s3 =	sld [smem:$0x3FFE];
	_ =	sdelay $0x1  }
0x8a: {  	s1 =	srdreg.scid  }
0x8b: {  	s0 =	sand.u32 $0x1, s1  }
0x8c: {  	s17 =	sshll.u32 s0, $0xA;
	s2 =	sadd.s32 s3, s2  }
0x8d: {  	s2 =	sadd.s32 s2, s17  }
0x8e: {  	[smem:$0x3FBF] =	sst s2  }
0x8f: {  	_ = 	snop  }
0x90: {  	(tm) =	ssettm $0x1  }
0x91: {  	s18 =	sld [smem:$0x3FFB];
	_ =	sdelay $0x3  }
0x92: {  	_ =	strace s18  }
0x93: {  	s2 =	sld [smem:$0x3FFC];
	_ =	sdelay $0x3  }
0x94: {  	_ =	strace s2  }
0x95: {  	s2 =	sld [smem:$0x3FFD];
	_ =	sdelay $0x3  }
0x96: {  	_ =	strace s2  }
0x97: {  	_ =	strace $0x8FFFFFFF  }
0x98: {  	s19 =	sld [smem:$0x3FDB];
	_ =	sdelay $0x1  }
0x99: {  	s20 =	simm.s32 $_scs_section_size  }
0x9a: {  	s4 =	simm.s32 $_size__tile_overlayer_lowered;
	s5 =	simm.s32 $_tile_overlayer_lowered  }
0x9b: {  	s6 =	simm.s32 $0x1BFF;
	s21 =	sshll.u32 s5, $0x1;
	s3 =	sadd.s32 s20, s19  }
0x9c: {  	s22 =	simm.s32 $0x0;
	s4 =	sshll.u32 s4, $0x1;
	s5 =	sadd.s32 s21, s3  }
0x9d: {  	[timem:s22], [sflag:s6] =	dma.local [hbm:s5], s4  }
0x9e: {  	_ =	swait.ge [sflag:s6], s4  }
0x9f: {  	s4 =	ssub.s32 $0x0, s4;
	[sflag:s6] =	ssyncset.done $0x0  }
0xa0: {  	[sflag:s6] =	ssyncadd.s32 s4;
	_ =	sdelay $0x1  }
0xa1: {  	s23 =	simm.s32 $0x1B8B  }
0xa2: {  	_ =	swait.ge [sflag:s23], $0x1  }
0xa3: {  	[sflag:s23] =	ssyncset.done $0x0  }
0xa4: {  	[sflag:s23] =	ssyncadd.s32 $0xFFFFFFFF  }
0xa5: {  	s4 =	sld [smem:$0x0]  }
0xa6: {  	s5 =	sand.u32 $0xFFFFFFFE, s1  }
0xa7: {  	p0 =	sne.s32 s1, s5  }
0xa8: {  	s5 =	sshll.u32 @p0 s5, $0xE  }
0xa9: {  	s5 =	sadd.s32 @p0 $0x11B8D, s5;
	s6 =	sshll.u32 @p0 s4, $0x11  }
0xaa: {  	s5 =	sor.u32 @p0 s6, s5  }
0xab: {  	[sflag:s5] =	ssyncadd.remote.s32 @p0 $0x1;
	_ =	sdelay $0x1  }
0xac: {  	s5 =	simm.s32 @p0 $0x1B8D  }
0xad: {  	_ =	swait.eq @p0 [sflag:s5], $0x1  }
0xae: {  	[sflag:s5] =	ssyncadd.s32 @p0 $0xFFFFFFFF  }
0xaf: {  	s6 =	sshll.u32 @!p0 s1, $0xE  }
0xb0: {  	s6 =	sor.u32 @!p0 $0x4000, s6;
	s5 =	simm.s32 @!p0 $0x1B8D  }
0xb1: {  	s4 =	sshll.u32 @!p0 s4, $0x11;
	s6 =	sadd.s32 @!p0 $0x11B8D, s6;
	_ =	swait.eq @!p0 [sflag:s5], $0x1  }
0xb2: {  	s4 =	sor.u32 @!p0 s4, s6;
	[sflag:s5] =	ssyncadd.s32 @!p0 $0xFFFFFFFF  }
0xb3: {  	s25 =	simm.s32 $0x1B8E;
	s24 =	sld [smem:$0x3FFE];
	[sflag:s4] =	ssyncadd.remote.s32 @!p0 $0x1  }
0xb4: {  	s26 =	simm.s32 $execute0_lowered;
	[smem:$0x3FD2] =	sst s25  }
0xb5: {  	s5 =	sshll.u32 s26, $0x1;
	_ =	strace $0x80000049;
	[dreg:$0x1] =	wrdreg $0xFFFFFFFF  }
0xb6: {  	s28 =	simm.s32 $_size_execute0_lowered;
	s3 =	sadd.s32 s3, s5;
	[dreg:$0x0] =	wrdreg $0x0  }
0xb7: {  	s5 =	sshll.u32 s28, $0x1;
	[dreg:$0x2] =	wrdreg s3  }
0xb8: {  	[dreg:$0x3] =	wrdreg s5  }
0xb9: {  	[dreg:$0x4] =	wrdreg $0xC0  }
0xba: {  	_ =	task [dreg:s22], $0x5FFFF  }
0xbb: {  	[dreg:$0x1] =	wrdreg $0xFFFFFFFF  }
0xbc: {  	[dreg:$0x0] =	wrdreg $0x60  }
0xbd: {  	[dreg:$0x2] =	wrdreg s24  }
0xbe: {  	[dreg:$0x3] =	wrdreg $0x48000  }
0xbf: {  	[dreg:$0x4] =	wrdreg $0x9  }
0xc0: {  	_ =	task.clear_ibuf [dreg:s22], $0x5FFFF;
	_ =	strace $0x90000049  }
0xc1: {  	s29 =	simm.s32 $0x9;
	_ =	strace $0x8000004B  }
0xc2: {  	_ =	swait.ge [sflag:s29], $0x1  }
0xc3: {  	[sflag:s29] =	ssyncadd.s32 $0xFFFFFFFF  }
0xc4: {  	_ =	strace $0x9000004B  }
0xc5: {  	_ =	sfence  }
0xc6: {  	s30 =	sld [smem:$0x0];
	_ =	sdelay $0x2  }
0xc7: {  	s31 =	sshll.u32 s1, $0xD;
	s1 =	sshrl.u32 s1, $0x2  }
0xc8: {  	s4 =	sand.u32 $0x4000, s31;
	s1 =	sadd.s32 s1, s30  }
0xc9: {  	s0 =	sor.u32 s4, s0;
	s1 =	sshll.u32 s1, $0x11  }
0xca: {  	s0 =	sor.u32 s1, s0  }
0xcb: {  	s0 =	sadd.s32 $0x8F2B, s0  }
0xcc: {  	[sflag:s0] =	ssyncadd.remote.s32 $0x1  }
0xcd: {  	_ =	sfence.sel $0xFFFF  }
0xce: {  	[dreg:$0x0] =	wrdreg $0xFFFFFFFF;
	(pc) =	sbr.abs _section_cstart, $3  }
0xcf: {  	[dreg:$0x1] =	wrdreg $0xFFFFFFFF  }
0xd0: {  	_ =	task.clear_ibuf [dreg:s22], $0x2FFFF;
	_ =	strace $0x9FFFFFFF  }
0xd1: {  	(tm) =	ssettm $0x7FFFFFFF  }
tec
execute0_lowered:
.L_overlay_start_1:
0x0: {  	(tag) =	ssettag $0x1  }
0x1: {  	s0 =	rddreg [dreg:$0x0]  }
0x2: {  	s1 =	rddreg [dreg:$0x1];
	s2 =	simm.s32 $0x0  }
0x3: {  	s3 =	srdreg.scid;
	s23 =	stileid.u32;
	s11 =	simm.s32 $0x2  }
0x4: {  	s12 =	simm.s32 $0x400;
	s13 =	simm.s32 $0x80;
	s14 =	simm.s32 $0x800  }
0x5: {  	s15 =	simm.s32 $0x1;
	s16 =	simm.s32 $0x480;
	s17 =	simm.s32 $0x100  }
0x6: {  	s18 =	simm.s32 $0x500;
	s19 =	simm.s32 $0x180;
	s20 =	simm.s32 $0x580  }
0x7: {  	s28 =	simm.s32 $0x380;
	s29 =	simm.s32 $0x780;
	s30 =	simm.s32 $0x0  }
0x8: {  	[smem:$0x7FF] =	sst s2;
	s4 =	sand.u32 $0x1, s3;
	s3 =	sadd.s32 $0x16E00, s0  }
0x9: {  	s21 =	sadd.s32 $0x3E000, s0;
	s9 =	sshll.u32 s23, $0xD;
	s25 =	sshll.u32 s23, $0x10  }
0xa: {  	s26 =	sshll.u32 s23, $0x6;
	s8 =	sshll.u32 s23, $0x7;
	s23 =	simm.s32 $0x280  }
0xb: {  	_ =	strace $0x8000004A;
	s5 =	sshll.u32 s4, $0xB;
	[dreg:$0x3] =	wrdreg s21  }
0xc: {  	s22 =	sshll.u32 s4, $0x11;
	s6 =	ssub.s32 $0x2, s4;
	s10 =	sadd.s32 s25, s1  }
0xd: {  	s21 =	simm.s32 $0x200;
	s25 =	simm.s32 $0x300;
	s7 =	sadd.s32 s5, s0  }
0xe: {  	s0 =	sadd.s32 s22, s0;
	s24 =	sshrl.u32 s6, $0x1;
	s5 =	sor.u32 $0x1C02, s26  }
0xf: {  	s10 =	sshrl.u32 s10, $0x3;
	s22 =	simm.s32 $0x600;
	s26 =	simm.s32 $0x700  }
0x10: {  	s6 =	ssub.s32 s6, s24;
	s8 =	sadd.s32 s8, s7;
	s0 =	sadd.s32 s9, s0  }
0x11: {  	s24 =	simm.s32 $0x680;
	s31 =	smax.u32 s6, $0x1;
	s7 =	sadd.s32 $0x90800, s8  }
0x12: {  	s8 =	sadd.s32 $0x9A800, s8;
	s0 =	sadd.s32 $0xA4800, s0;
	[dreg:$0x4] =	wrdreg s31  }
.LBB2_1:
0x13: {  	s9 =	rddreg [dreg:$0x3]  }
0x14: {  	[spmem:s10], [sflag:s5] =	dma.local [hbm:s9], $0x2000  }
0x15: {  	_ =	swait.ge [sflag:s11], $0x2000  }
0x16: {  	[sflag:s11] =	ssyncset.done $0x0  }
0x17: {  	[sflag:s11] =	ssyncadd.s32 $0xFFFFE000  }
0x18: {  	s4 =	sadd.s32 $0x0, s7;
	[bflag:$0x0] =	sbarrier.arrive $0xFFFF  }
0x19: {  	[tilespmem:s2], [sflag:$0x2] =	stream.linear.gather [hbm4b:s4+s2], $0x400, $0x38;
	[tilespmem:$0x14800] =	vst v63  }
0x1a: {  	_ =	swait.ge [sflag:s11], $0x400  }
0x1b: {  	[sflag:s11] =	ssyncset.done $0x0  }
0x1c: {  	s6 =	sadd.s32 $0x0, s8;
	[sflag:s11] =	ssyncadd.s32 $0xFFFFFC00  }
0x1d: {  	[tilespmem:s12], [sflag:$0x2] =	stream.linear.gather [hbm4b:s6+s2], $0x400, $0x38;
	[tilespmem:$0x14800] =	vst v63  }
0x1e: {  	_ =	swait.ge [sflag:s11], $0x400  }
0x1f: {  	[sflag:s11] =	ssyncset.done $0x0  }
0x20: {  	[sflag:s11] =	ssyncadd.s32 $0xFFFFFC00  }
0x21: {  	[tilespmem:s14], [sflag:$0x1] =	stream.indirect.gather [hbm4b:s3+s13], $0x80, s2, s13, $0xb8;
	[tilespmem:$0x14800] =	vst v63  }
0x22: {  	_ =	swait.ge [sflag:s15], $0x4000  }
0x23: {  	[sflag:s15] =	ssyncset.done $0x0  }
0x24: {  	[sflag:s15] =	ssyncadd.s32 $0xFFFFC000  }
0x25: {  	[spmem:s1] =	stream.indirect.scatter.add.f32 [tilespmem:s14], [sflag:$0x2], $0x80, s12, s13, $0xb8;
	[tilespmem:$0x14800] =	vst v63  }
0x26: {  	_ =	swait.ge [sflag:s11], $0x4000  }
0x27: {  	[sflag:s11] =	ssyncset.done $0x0  }
0x28: {  	[sflag:s11] =	ssyncadd.s32 $0xFFFFC000  }
0x29: {  	[tilespmem:s14], [sflag:$0x1] =	stream.indirect.gather [hbm4b:s3+s13], $0x80, s13, s13, $0xb8;
	[tilespmem:$0x14800] =	vst v63  }
0x2a: {  	_ =	swait.ge [sflag:s15], $0x4000  }
0x2b: {  	[sflag:s15] =	ssyncset.done $0x0  }
0x2c: {  	[sflag:s15] =	ssyncadd.s32 $0xFFFFC000  }
0x2d: {  	[spmem:s1] =	stream.indirect.scatter.add.f32 [tilespmem:s14], [sflag:$0x2], $0x80, s16, s13, $0xb8;
	[tilespmem:$0x14800] =	vst v63  }
0x2e: {  	_ =	swait.ge [sflag:s11], $0x4000  }
0x2f: {  	[sflag:s11] =	ssyncset.done $0x0  }
0x30: {  	[sflag:s11] =	ssyncadd.s32 $0xFFFFC000  }
0x31: {  	[tilespmem:s14], [sflag:$0x1] =	stream.indirect.gather [hbm4b:s3+s13], $0x80, s17, s13, $0xb8;
	[tilespmem:$0x14800] =	vst v63  }
0x32: {  	_ =	swait.ge [sflag:s15], $0x4000  }
0x33: {  	[sflag:s15] =	ssyncset.done $0x0  }
0x34: {  	[sflag:s15] =	ssyncadd.s32 $0xFFFFC000  }
0x35: {  	[spmem:s1] =	stream.indirect.scatter.add.f32 [tilespmem:s14], [sflag:$0x2], $0x80, s18, s13, $0xb8;
	[tilespmem:$0x14800] =	vst v63  }
0x36: {  	_ =	swait.ge [sflag:s11], $0x4000  }
0x37: {  	[sflag:s11] =	ssyncset.done $0x0  }
0x38: {  	[sflag:s11] =	ssyncadd.s32 $0xFFFFC000  }
0x39: {  	[tilespmem:s14], [sflag:$0x1] =	stream.indirect.gather [hbm4b:s3+s13], $0x80, s19, s13, $0xb8;
	[tilespmem:$0x14800] =	vst v63  }
0x3a: {  	_ =	swait.ge [sflag:s15], $0x4000  }
0x3b: {  	[sflag:s15] =	ssyncset.done $0x0  }
0x3c: {  	[sflag:s15] =	ssyncadd.s32 $0xFFFFC000  }
0x3d: {  	[spmem:s1] =	stream.indirect.scatter.add.f32 [tilespmem:s14], [sflag:$0x2], $0x80, s20, s13, $0xb8;
	[tilespmem:$0x14800] =	vst v63  }
0x3e: {  	_ =	swait.ge [sflag:s11], $0x4000  }
0x3f: {  	[sflag:s11] =	ssyncset.done $0x0  }
0x40: {  	[sflag:s11] =	ssyncadd.s32 $0xFFFFC000  }
0x41: {  	[tilespmem:s14], [sflag:$0x1] =	stream.indirect.gather [hbm4b:s3+s13], $0x80, s21, s13, $0xb8;
	[tilespmem:$0x14800] =	vst v63  }
0x42: {  	_ =	swait.ge [sflag:s15], $0x4000  }
0x43: {  	[sflag:s15] =	ssyncset.done $0x0  }
0x44: {  	[sflag:s15] =	ssyncadd.s32 $0xFFFFC000  }
0x45: {  	[spmem:s1] =	stream.indirect.scatter.add.f32 [tilespmem:s14], [sflag:$0x2], $0x80, s22, s13, $0xb8;
	[tilespmem:$0x14800] =	vst v63  }
0x46: {  	_ =	swait.ge [sflag:s11], $0x4000  }
0x47: {  	[sflag:s11] =	ssyncset.done $0x0  }
0x48: {  	[sflag:s11] =	ssyncadd.s32 $0xFFFFC000  }
0x49: {  	[tilespmem:s14], [sflag:$0x1] =	stream.indirect.gather [hbm4b:s3+s13], $0x80, s23, s13, $0xb8;
	[tilespmem:$0x14800] =	vst v63  }
0x4a: {  	_ =	swait.ge [sflag:s15], $0x4000  }
0x4b: {  	[sflag:s15] =	ssyncset.done $0x0  }
0x4c: {  	[sflag:s15] =	ssyncadd.s32 $0xFFFFC000  }
0x4d: {  	[spmem:s1] =	stream.indirect.scatter.add.f32 [tilespmem:s14], [sflag:$0x2], $0x80, s24, s13, $0xb8;
	[tilespmem:$0x14800] =	vst v63  }
0x4e: {  	_ =	swait.ge [sflag:s11], $0x4000  }
0x4f: {  	[sflag:s11] =	ssyncset.done $0x0  }
0x50: {  	[sflag:s11] =	ssyncadd.s32 $0xFFFFC000  }
0x51: {  	[tilespmem:s14], [sflag:$0x1] =	stream.indirect.gather [hbm4b:s3+s13], $0x80, s25, s13, $0xb8;
	[tilespmem:$0x14800] =	vst v63  }
0x52: {  	_ =	swait.ge [sflag:s15], $0x4000  }
0x53: {  	[sflag:s15] =	ssyncset.done $0x0  }
0x54: {  	[sflag:s15] =	ssyncadd.s32 $0xFFFFC000  }
0x55: {  	[spmem:s1] =	stream.indirect.scatter.add.f32 [tilespmem:s14], [sflag:$0x2], $0x80, s26, s13, $0xb8;
	[tilespmem:$0x14800] =	vst v63  }
0x56: {  	_ =	swait.ge [sflag:s11], $0x4000  }
0x57: {  	[sflag:s11] =	ssyncset.done $0x0  }
0x58: {  	[sflag:s11] =	ssyncadd.s32 $0xFFFFC000  }
0x59: {  	[tilespmem:s14], [sflag:$0x1] =	stream.indirect.gather [hbm4b:s3+s13], $0x80, s28, s13, $0xb8;
	[tilespmem:$0x14800] =	vst v63  }
0x5a: {  	_ =	swait.ge [sflag:s15], $0x4000  }
0x5b: {  	[sflag:s15] =	ssyncset.done $0x0  }
0x5c: {  	[sflag:s15] =	ssyncadd.s32 $0xFFFFC000  }
0x5d: {  	[spmem:s1] =	stream.indirect.scatter.add.f32 [tilespmem:s14], [sflag:$0x2], $0x80, s29, s13, $0xb8;
	[tilespmem:$0x14800] =	vst v63  }
0x5e: {  	_ =	swait.ge [sflag:s11], $0x4000  }
0x5f: {  	[sflag:s11] =	ssyncset.done $0x0  }
0x60: {  	[sflag:s11] =	ssyncadd.s32 $0xFFFFC000  }
0x61: {  	[bflag:$0x0] =	sbarrier.arrive $0xFFFF  }
0x62: {  	[hbm:s0], [sflag:s5] =	dma.local [spmem:s10], $0x2000  }
0x63: {  	s31 =	simm.s32 $0x1000;
	s9 =	smov.u32 s0;
	_ =	swait.ge [sflag:s11], $0x2000  }
.LBB2_2:
0x64: {  	[sflag:s11] =	ssyncset.done $0x0  }
0x65: {  	s4 =	rddreg [dreg:$0x3];
	[sflag:s11] =	ssyncadd.s32 $0xFFFFE000  }
0x66: {  	[spmem:s10], [sflag:s5] =	dma.local [hbm:s4], $0x2000  }
0x67: {  	_ =	swait.ge [sflag:s11], $0x2000  }
0x68: {  	[sflag:s11] =	ssyncset.done $0x0  }
0x69: {  	s6 =	smov.u32 s31;
	[sflag:s11] =	ssyncadd.s32 $0xFFFFE000  }
0x6a: {  	s4 =	sadd.s32 s6, s7;
	[bflag:$0x0] =	sbarrier.arrive $0xFFFF  }
0x6b: {  	[tilespmem:s2], [sflag:$0x2] =	stream.linear.gather [hbm4b:s4+s2], $0x400, $0x38;
	[tilespmem:$0x14800] =	vst v63  }
0x6c: {  	_ =	swait.ge [sflag:s11], $0x400  }
0x6d: {  	[sflag:s11] =	ssyncset.done $0x0  }
0x6e: {  	s6 =	sadd.s32 s6, s8;
	[sflag:s11] =	ssyncadd.s32 $0xFFFFFC00  }
0x6f: {  	[tilespmem:s12], [sflag:$0x2] =	stream.linear.gather [hbm4b:s6+s2], $0x400, $0x38;
	[tilespmem:$0x14800] =	vst v63  }
0x70: {  	_ =	swait.ge [sflag:s11], $0x400  }
0x71: {  	[sflag:s11] =	ssyncset.done $0x0  }
0x72: {  	[sflag:s11] =	ssyncadd.s32 $0xFFFFFC00  }
0x73: {  	[tilespmem:s14], [sflag:$0x1] =	stream.indirect.gather [hbm4b:s3+s13], $0x80, s2, s13, $0xb8;
	[tilespmem:$0x14800] =	vst v63  }
0x74: {  	_ =	swait.ge [sflag:s15], $0x4000  }
0x75: {  	[sflag:s15] =	ssyncset.done $0x0  }
0x76: {  	[sflag:s15] =	ssyncadd.s32 $0xFFFFC000  }
0x77: {  	[spmem:s1] =	stream.indirect.scatter.add.f32 [tilespmem:s14], [sflag:$0x2], $0x80, s12, s13, $0xb8;
	[tilespmem:$0x14800] =	vst v63  }
0x78: {  	_ =	swait.ge [sflag:s11], $0x4000  }
0x79: {  	[sflag:s11] =	ssyncset.done $0x0  }
0x7a: {  	[sflag:s11] =	ssyncadd.s32 $0xFFFFC000  }
0x7b: {  	[tilespmem:s14], [sflag:$0x1] =	stream.indirect.gather [hbm4b:s3+s13], $0x80, s13, s13, $0xb8;
	[tilespmem:$0x14800] =	vst v63  }
0x7c: {  	_ =	swait.ge [sflag:s15], $0x4000  }
0x7d: {  	[sflag:s15] =	ssyncset.done $0x0  }
0x7e: {  	[sflag:s15] =	ssyncadd.s32 $0xFFFFC000  }
0x7f: {  	[spmem:s1] =	stream.indirect.scatter.add.f32 [tilespmem:s14], [sflag:$0x2], $0x80, s16, s13, $0xb8;
	[tilespmem:$0x14800] =	vst v63  }
0x80: {  	_ =	swait.ge [sflag:s11], $0x4000  }
0x81: {  	[sflag:s11] =	ssyncset.done $0x0  }
0x82: {  	[sflag:s11] =	ssyncadd.s32 $0xFFFFC000  }
0x83: {  	[tilespmem:s14], [sflag:$0x1] =	stream.indirect.gather [hbm4b:s3+s13], $0x80, s17, s13, $0xb8;
	[tilespmem:$0x14800] =	vst v63  }
0x84: {  	_ =	swait.ge [sflag:s15], $0x4000  }
0x85: {  	[sflag:s15] =	ssyncset.done $0x0  }
0x86: {  	[sflag:s15] =	ssyncadd.s32 $0xFFFFC000  }
0x87: {  	[spmem:s1] =	stream.indirect.scatter.add.f32 [tilespmem:s14], [sflag:$0x2], $0x80, s18, s13, $0xb8;
	[tilespmem:$0x14800] =	vst v63  }
0x88: {  	_ =	swait.ge [sflag:s11], $0x4000  }
0x89: {  	[sflag:s11] =	ssyncset.done $0x0  }
0x8a: {  	[sflag:s11] =	ssyncadd.s32 $0xFFFFC000  }
0x8b: {  	[tilespmem:s14], [sflag:$0x1] =	stream.indirect.gather [hbm4b:s3+s13], $0x80, s19, s13, $0xb8;
	[tilespmem:$0x14800] =	vst v63  }
0x8c: {  	_ =	swait.ge [sflag:s15], $0x4000  }
0x8d: {  	[sflag:s15] =	ssyncset.done $0x0  }
0x8e: {  	[sflag:s15] =	ssyncadd.s32 $0xFFFFC000  }
0x8f: {  	[spmem:s1] =	stream.indirect.scatter.add.f32 [tilespmem:s14], [sflag:$0x2], $0x80, s20, s13, $0xb8;
	[tilespmem:$0x14800] =	vst v63  }
0x90: {  	_ =	swait.ge [sflag:s11], $0x4000  }
0x91: {  	[sflag:s11] =	ssyncset.done $0x0  }
0x92: {  	[sflag:s11] =	ssyncadd.s32 $0xFFFFC000  }
0x93: {  	[tilespmem:s14], [sflag:$0x1] =	stream.indirect.gather [hbm4b:s3+s13], $0x80, s21, s13, $0xb8;
	[tilespmem:$0x14800] =	vst v63  }
0x94: {  	_ =	swait.ge [sflag:s15], $0x4000  }
0x95: {  	[sflag:s15] =	ssyncset.done $0x0  }
0x96: {  	[sflag:s15] =	ssyncadd.s32 $0xFFFFC000  }
0x97: {  	[spmem:s1] =	stream.indirect.scatter.add.f32 [tilespmem:s14], [sflag:$0x2], $0x80, s22, s13, $0xb8;
	[tilespmem:$0x14800] =	vst v63  }
0x98: {  	_ =	swait.ge [sflag:s11], $0x4000  }
0x99: {  	[sflag:s11] =	ssyncset.done $0x0  }
0x9a: {  	[sflag:s11] =	ssyncadd.s32 $0xFFFFC000  }
0x9b: {  	[tilespmem:s14], [sflag:$0x1] =	stream.indirect.gather [hbm4b:s3+s13], $0x80, s23, s13, $0xb8;
	[tilespmem:$0x14800] =	vst v63  }
0x9c: {  	_ =	swait.ge [sflag:s15], $0x4000  }
0x9d: {  	[sflag:s15] =	ssyncset.done $0x0  }
0x9e: {  	[sflag:s15] =	ssyncadd.s32 $0xFFFFC000  }
0x9f: {  	[spmem:s1] =	stream.indirect.scatter.add.f32 [tilespmem:s14], [sflag:$0x2], $0x80, s24, s13, $0xb8;
	[tilespmem:$0x14800] =	vst v63  }
0xa0: {  	_ =	swait.ge [sflag:s11], $0x4000  }
0xa1: {  	[sflag:s11] =	ssyncset.done $0x0  }
0xa2: {  	[sflag:s11] =	ssyncadd.s32 $0xFFFFC000  }
0xa3: {  	[tilespmem:s14], [sflag:$0x1] =	stream.indirect.gather [hbm4b:s3+s13], $0x80, s25, s13, $0xb8;
	[tilespmem:$0x14800] =	vst v63  }
0xa4: {  	_ =	swait.ge [sflag:s15], $0x4000  }
0xa5: {  	[sflag:s15] =	ssyncset.done $0x0  }
0xa6: {  	[sflag:s15] =	ssyncadd.s32 $0xFFFFC000  }
0xa7: {  	[spmem:s1] =	stream.indirect.scatter.add.f32 [tilespmem:s14], [sflag:$0x2], $0x80, s26, s13, $0xb8;
	[tilespmem:$0x14800] =	vst v63  }
0xa8: {  	_ =	swait.ge [sflag:s11], $0x4000  }
0xa9: {  	[sflag:s11] =	ssyncset.done $0x0  }
0xaa: {  	[sflag:s11] =	ssyncadd.s32 $0xFFFFC000  }
0xab: {  	[tilespmem:s14], [sflag:$0x1] =	stream.indirect.gather [hbm4b:s3+s13], $0x80, s28, s13, $0xb8;
	[tilespmem:$0x14800] =	vst v63  }
0xac: {  	_ =	swait.ge [sflag:s15], $0x4000  }
0xad: {  	[sflag:s15] =	ssyncset.done $0x0  }
0xae: {  	[sflag:s15] =	ssyncadd.s32 $0xFFFFC000  }
0xaf: {  	[spmem:s1] =	stream.indirect.scatter.add.f32 [tilespmem:s14], [sflag:$0x2], $0x80, s29, s13, $0xb8;
	[tilespmem:$0x14800] =	vst v63  }
0xb0: {  	p0 =	sne.s32 s31, $0x9000;
	_ =	swait.ge [sflag:s11], $0x4000  }
.Ltmp0:
0xb1: {  	[sflag:s11] =	ssyncset.done $0x0;
	(pc) =	sbr.rel @p0 .LBB2_2-.Ltmp0, $4  }
0xb2: {  	[sflag:s11] =	ssyncadd.s32 $0xFFFFC000  }
0xb3: {  	s9 =	sadd.s32 $0x40000, s9;
	[bflag:$0x0] =	sbarrier.arrive $0xFFFF  }
0xb4: {  	[hbm:s9], [sflag:s5] =	dma.local [spmem:s10], $0x2000  }
0xb5: {  	s31 =	sadd.s32 $0x1000, s31;
	_ =	swait.ge [sflag:s11], $0x2000  }
0xb6: {  	s30 =	sadd.s32 $0x1, s30;
	s4 =	rddreg [dreg:$0x4]  }
0xb7: {  	p0 =	sne.s32 s30, s4  }
.Ltmp1:
0xb8: {  	_ = 	snop;
	(pc) =	sbr.rel @p0 .LBB2_1-.Ltmp1, $3  }
0xb9: {  	_ =	sdelay $0x1  }
0xba: {  	[sflag:s11] =	ssyncset.done $0x0  }
0xbb: {  	[sflag:s11] =	ssyncadd.s32 $0xFFFFE000  }
0xbc: {  	_ =	sfence.sel $0x180000  }
0xbd: {  	[bflag:$0x0] =	sbarrier.arrive $0xFFFF  }
0xbe: {  	_ =	strace $0x9000004A  }
0xbf: {  	s0 =	stileid.u32;
	[bflag:$0x2] =	sbarrier.arrive $0xFFFF  }
0xc0: {  	p0 =	sne.s32 s0, $0x0;
	s0 =	rddreg [dreg:$0x2]  }
0xc1: {  	s0 =	sadd.s32 @!p0 $0x100000, s0  }
0xc2: {  	[sflag:s0] =	ssyncadd.tile.s32 @!p0 $0x1;
	_ =	shalt  }
.Lfunc_end2:
_tile_overlayer_lowered:
.L_overlay_start_2:
0xc3: {  	(tag) =	ssettag $0x2  }
0xc4: {  	s0 =	rddreg [dreg:$0x0];
	s2 =	stileid.u32  }
0xc5: {  	s1 =	rddreg [dreg:$0x1];
	p0 =	sne.s32 s2, $0x0  }
0xc6: {  	s3 =	rddreg [dreg:$0x2];
	[bflag:$0x3] =	sbarrier.arrive $0xFFFF;
	s2 =	simm.s32 @!p0 $0x1C02  }
0xc7: {  	[timem:s3], [sflag:s2] =	dma.local @!p0 [hbm:s0], s1  }
0xc8: {  	s0 =	simm.s32 @!p0 $0x2  }
0xc9: {  	_ =	swait.ge @!p0 [sflag:s0], s1  }
0xca: {  	s1 =	ssub.s32 @!p0 $0x0, s1;
	[sflag:s0] =	ssyncset.done @!p0 $0x0  }
0xcb: {  	[sflag:s0] =	ssyncadd.s32 @!p0 s1  }
0xcc: {  	[bflag:$0x3] =	sbarrier.arrive $0xFFFF  }
0xcd: {  	_ =	shalt  }

// kernel: kernel.16.cloned.1.call-start
scs
__scs_entry_jumppad:
0x0: {  	(pc) =	sbr.rel $0x88, $3  }
0x1: {  	(tag) =	ssettag $0x0;
	lr =	simm.s32 $0x1  }
0x2: {  	[smem:$0x3F98] =	sst lr;
	_ =	strace $0xD0000000  }
0x3: {  	_ = 	snop  }
0x4: {  	_ = 	snop  }
0x5: {  	_ = 	snop  }
0x6: {  	_ = 	snop  }
0x7: {  	_ = 	snop  }
__scs_overlays_trampoline_lowered:
0x8: {  	[smem:$0x3FA7] =	sst s0  }
0x9: {  	[smem:$0x3FA8] =	sst s1  }
0xa: {  	[smem:$0x3FA9] =	sst s2  }
0xb: {  	[smem:$0x3FAA] =	sst s3  }
0xc: {  	[smem:$0x3FAB] =	sst s4  }
0xd: {  	[smem:$0x3FAC] =	sst s5  }
0xe: {  	[smem:$0x3FAD] =	sst s6  }
0xf: {  	[smem:$0x3FAE] =	sst s7  }
0x10: {  	[smem:$0x3FAF] =	sst s8  }
0x11: {  	[smem:$0x3FB0] =	sst s9;
	s0 =	simm.s32 @!p0 $0x0  }
0x12: {  	s1 =	sld [smem:$0x3F96];
	s0 =	simm.s32 @p0 $0x1  }
0x13: {  	[smem:$0x3FB1] =	sst s0;
	s0 =	simm.s32 @!p1 $0x0  }
0x14: {  	s2 =	sld [smem:$0x3F95];
	s0 =	simm.s32 @p1 $0x1  }
0x15: {  	[smem:$0x3FB2] =	sst s0;
	s0 =	simm.s32 @!p2 $0x0  }
0x16: {  	s3 =	sld [smem:$0x3FDB];
	s0 =	simm.s32 @p2 $0x1  }
0x17: {  	s4 =	simm.s32 $0x1BF5;
	[smem:$0x3FB4] =	sst s0  }
0x18: {  	s0 =	sld [smem:$0x3F97];
	_ =	swait.ge [sflag:s4], $0x0  }
0x19: {  	s7 =	sld [smem:$0x3F98]  }
0x1a: {  	s8 =	sadd.s32 $0xFFFFE003, lr  }
0x1b: {  	s9 =	sadd.s32 $0xFFFFFEF7, lr;
	s5 =	simm.s32 $0xFFFFFFFF;
	p2 =	slt.u32 s8, $0xFFFFF086  }
0x1c: {  	p1 =	slt.u32 s9, $0xF7A;
	s5 =	simm.s32 @!p2 $0x0  }
0x1d: {  	s5 =	simm.s32 @p1 $0x1;
	p0 =	seq.s32 s7, s2  }
0x1e: {  	s7 =	smul.u32 @!p0 $0xF7A, s2;
	p2 =	seq.s32 @!p0 s5, $0x0  }
0x1f: {  	s9 =	smul.u32 $0xF7A, s1;
	s8 =	simm.s32 @!p0 $0x1BF5;
	p2 =	por !p2, p0  }
0x20: {  	[sflag:s8] =	ssyncset.s32 @!p0 $0xFFFFF086;
	s6 =	sadd.s32 @!p0 s3, s7;
	s7 =	simm.s32 @!p0 $0x108  }
0x21: {  	s3 =	sadd.s32 s3, s9;
	s6 =	sadd.s32 @!p0 $0x88, s6;
	s7 =	simm.s32 @p2 $0x1082  }
0x22: {  	[simem:s7], [sflag:s8] =	dma.local @!p0 [hbm:s6], $0xF7A  }
0x23: {  	s9 =	sor.u32 $0xD0000000, s2;
	s6 =	simm.s32 $0x108;
	_ =	swait.ge @!p0 [sflag:s8], $0x0  }
0x24: {  	s3 =	sadd.s32 $0x88, s3;
	s6 =	simm.s32 @!p1 $0x1082;
	[sflag:s4] =	ssyncset.s32 $0xFFFFF086  }
0x25: {  	[simem:s6], [sflag:s4] =	dma.local [hbm:s3], $0xF7A  }
0x26: {  	[smem:$0x3F98] =	sst s1;
	(tag) =	ssettag s2;
	_ =	strace s9  }
0x27: {  	s1 =	sld [smem:$0x3FA8]  }
0x28: {  	s2 =	sld [smem:$0x3FA9]  }
0x29: {  	s4 =	sld [smem:$0x3FAB]  }
0x2a: {  	p0 =	seq.s32 s5, $0x0;
	s5 =	sld [smem:$0x3FAC]  }
0x2b: {  	s6 =	sld [smem:$0x3FAD]  }
0x2c: {  	s7 =	sld [smem:$0x3FAE]  }
0x2d: {  	s3 =	simm.s32 $0x108;
	s8 =	sld [smem:$0x3FAF]  }
0x2e: {  	s3 =	simm.s32 @!p0 $0x1082;
	s9 =	sld [smem:$0x3FB0]  }
0x2f: {  	lr =	sadd.s32 s0, s3;
	s0 =	sld [smem:$0x3FA7]  }
0x30: {  	s3 =	sld [smem:$0x3FAA]  }
0x31: {  	[smem:$0x3FB3] =	sst s10  }
0x32: {  	s10 =	sld [smem:$0x3FB1];
	_ =	sdelay $0x3  }
0x33: {  	p0 =	seq.s32 s10, $0x1;
	s10 =	sld [smem:$0x3FB3];
	_ =	sdelay $0x3  }
0x34: {  	[smem:$0x3FB3] =	sst s10  }
0x35: {  	s10 =	sld [smem:$0x3FB2];
	_ =	sdelay $0x3  }
0x36: {  	p1 =	seq.s32 s10, $0x1;
	s10 =	sld [smem:$0x3FB3];
	_ =	sdelay $0x3  }
0x37: {  	[smem:$0x3FB3] =	sst s10  }
0x38: {  	s10 =	sld [smem:$0x3FB4]  }
0x39: {  	_ = 	snop;
	(pc) =	sbr.ind lr, $3  }
0x3a: {  	_ = 	snop  }
0x3b: {  	_ = 	snop  }
0x3c: {  	p2 =	seq.s32 s10, $0x1;
	s10 =	sld [smem:$0x3FB3]  }
0x3d: {  	_ =	shalt  }
0x3e: {  	_ =	shalt  }
0x3f: {  	_ =	shalt  }
0x40: {  	_ =	shalt  }
0x41: {  	_ =	shalt  }
0x42: {  	_ =	shalt  }
0x43: {  	_ =	shalt  }
0x44: {  	_ =	shalt  }
0x45: {  	_ =	shalt  }
0x46: {  	_ =	shalt  }
0x47: {  	_ =	shalt  }
0x48: {  	_ =	shalt  }
0x49: {  	_ =	shalt  }
0x4a: {  	_ =	shalt  }
0x4b: {  	_ =	shalt  }
0x4c: {  	_ =	shalt  }
0x4d: {  	_ =	shalt  }
0x4e: {  	_ =	shalt  }
0x4f: {  	_ =	shalt  }
0x50: {  	_ =	shalt  }
0x51: {  	_ =	shalt  }
0x52: {  	_ =	shalt  }
0x53: {  	_ =	shalt  }
0x54: {  	_ =	shalt  }
0x55: {  	_ =	shalt  }
0x56: {  	_ =	shalt  }
0x57: {  	_ =	shalt  }
0x58: {  	_ =	shalt  }
0x59: {  	_ =	shalt  }
0x5a: {  	_ =	shalt  }
0x5b: {  	_ =	shalt  }
0x5c: {  	_ =	shalt  }
0x5d: {  	_ =	shalt  }
0x5e: {  	_ =	shalt  }
0x5f: {  	_ =	shalt  }
0x60: {  	_ =	shalt  }
0x61: {  	_ =	shalt  }
0x62: {  	_ =	shalt  }
0x63: {  	_ =	shalt  }
0x64: {  	_ =	shalt  }
0x65: {  	_ =	shalt  }
0x66: {  	_ =	shalt  }
0x67: {  	_ =	shalt  }
0x68: {  	_ =	shalt  }
0x69: {  	_ =	shalt  }
0x6a: {  	_ =	shalt  }
0x6b: {  	_ =	shalt  }
0x6c: {  	_ =	shalt  }
0x6d: {  	_ =	shalt  }
0x6e: {  	_ =	shalt  }
0x6f: {  	_ =	shalt  }
0x70: {  	_ =	shalt  }
0x71: {  	_ =	shalt  }
0x72: {  	_ =	shalt  }
0x73: {  	_ =	shalt  }
0x74: {  	_ =	shalt  }
0x75: {  	_ =	shalt  }
0x76: {  	_ =	shalt  }
0x77: {  	_ =	shalt  }
0x78: {  	_ =	shalt  }
0x79: {  	_ =	shalt  }
0x7a: {  	_ =	shalt  }
0x7b: {  	_ =	shalt  }
0x7c: {  	_ =	shalt  }
0x7d: {  	_ =	shalt  }
0x7e: {  	_ =	shalt  }
0x7f: {  	_ =	shalt  }
0x80: {  	_ =	shalt  }
0x81: {  	_ =	shalt  }
0x82: {  	_ =	shalt  }
0x83: {  	_ =	shalt  }
0x84: {  	_ =	shalt  }
0x85: {  	_ =	shalt  }
0x86: {  	_ =	shalt  }
0x87: {  	_ =	shalt  }
.Lfunc_end0:
.L_simem_size_0:
called_computation.2_lowered:
.L_overlay_start_0:
0x88: {  	s2 =	sld [smem:$0x3FD9]  }
0x89: {  	s3 =	sld [smem:$0x3FFE];
	_ =	sdelay $0x1  }
0x8a: {  	s1 =	srdreg.scid  }
0x8b: {  	s0 =	sand.u32 $0x1, s1  }
0x8c: {  	s17 =	sshll.u32 s0, $0xA;
	s2 =	sadd.s32 s3, s2  }
0x8d: {  	s2 =	sadd.s32 s2, s17  }
0x8e: {  	[smem:$0x3FBF] =	sst s2  }
0x8f: {  	_ = 	snop  }
0x90: {  	s18 =	sld [smem:$0x3FD0];
	(tm) =	ssettm $0x1  }
0x91: {  	s19 =	sld [smem:$0x3FFB];
	_ =	sdelay $0x3  }
0x92: {  	_ =	strace s19  }
0x93: {  	s2 =	sld [smem:$0x3FFC];
	_ =	sdelay $0x3  }
0x94: {  	_ =	strace s2  }
0x95: {  	s2 =	sld [smem:$0x3FFD];
	_ =	sdelay $0x3  }
0x96: {  	_ =	strace s2  }
0x97: {  	_ =	strace $0x8FFFFFFF  }
0x98: {  	s20 =	sld [smem:$0x3FDB];
	_ =	sdelay $0x1  }
0x99: {  	s4 =	simm.s32 $_scs_section_size  }
0x9a: {  	s5 =	simm.s32 $_size__tile_overlayer_lowered;
	s6 =	simm.s32 $_tile_overlayer_lowered  }
0x9b: {  	s7 =	simm.s32 $0x1BFF;
	s21 =	sshll.u32 s6, $0x1;
	s4 =	sadd.s32 s4, s20  }
0x9c: {  	s22 =	simm.s32 $0x0;
	s5 =	sshll.u32 s5, $0x1;
	s6 =	sadd.s32 s21, s4  }
0x9d: {  	[timem:s22], [sflag:s7] =	dma.local [hbm:s6], s5  }
0x9e: {  	_ =	swait.ge [sflag:s7], s5  }
0x9f: {  	s5 =	ssub.s32 $0x0, s5;
	[sflag:s7] =	ssyncset.done $0x0  }
0xa0: {  	[sflag:s7] =	ssyncadd.s32 s5;
	_ =	sdelay $0x1  }
0xa1: {  	s23 =	simm.s32 $0x1B8B  }
0xa2: {  	_ =	swait.ge [sflag:s23], $0x1  }
0xa3: {  	[sflag:s23] =	ssyncset.done $0x0  }
0xa4: {  	[sflag:s23] =	ssyncadd.s32 $0xFFFFFFFF  }
0xa5: {  	s5 =	sld [smem:$0x0]  }
0xa6: {  	s6 =	sand.u32 $0xFFFFFFFE, s1  }
0xa7: {  	p0 =	sne.s32 s1, s6  }
0xa8: {  	s6 =	sshll.u32 @p0 s6, $0xE  }
0xa9: {  	s6 =	sadd.s32 @p0 $0x11B8D, s6;
	s7 =	sshll.u32 @p0 s5, $0x11  }
0xaa: {  	s6 =	sor.u32 @p0 s7, s6  }
0xab: {  	[sflag:s6] =	ssyncadd.remote.s32 @p0 $0x1;
	_ =	sdelay $0x1  }
0xac: {  	s6 =	simm.s32 @p0 $0x1B8D  }
0xad: {  	_ =	swait.eq @p0 [sflag:s6], $0x1  }
0xae: {  	[sflag:s6] =	ssyncadd.s32 @p0 $0xFFFFFFFF  }
0xaf: {  	s7 =	sshll.u32 @!p0 s1, $0xE  }
0xb0: {  	s7 =	sor.u32 @!p0 $0x4000, s7;
	s6 =	simm.s32 @!p0 $0x1B8D  }
0xb1: {  	s5 =	sshll.u32 @!p0 s5, $0x11;
	s7 =	sadd.s32 @!p0 $0x11B8D, s7;
	_ =	swait.eq @!p0 [sflag:s6], $0x1  }
0xb2: {  	s5 =	sor.u32 @!p0 s5, s7;
	[sflag:s6] =	ssyncadd.s32 @!p0 $0xFFFFFFFF  }
0xb3: {  	s25 =	simm.s32 $0x1B8E;
	s24 =	sld [smem:$0x3FFE];
	[sflag:s5] =	ssyncadd.remote.s32 @!p0 $0x1  }
0xb4: {  	s26 =	simm.s32 $execute0_lowered;
	[smem:$0x3FD2] =	sst s25  }
0xb5: {  	s6 =	sshll.u32 s26, $0x1;
	_ =	strace $0x8000004C;
	[dreg:$0x1] =	wrdreg $0xFFFFFFFF  }
0xb6: {  	s28 =	simm.s32 $_size_execute0_lowered;
	s4 =	sadd.s32 s4, s6;
	[dreg:$0x0] =	wrdreg $0x0  }
0xb7: {  	s6 =	sshll.u32 s28, $0x1;
	[dreg:$0x2] =	wrdreg s4  }
0xb8: {  	[dreg:$0x3] =	wrdreg s6  }
0xb9: {  	[dreg:$0x4] =	wrdreg $0xC0  }
0xba: {  	_ =	task [dreg:s22], $0x5FFFF  }
0xbb: {  	[dreg:$0x1] =	wrdreg $0xFFFFFFFF  }
0xbc: {  	[dreg:$0x0] =	wrdreg $0x60  }
0xbd: {  	[dreg:$0x2] =	wrdreg s18  }
0xbe: {  	[dreg:$0x3] =	wrdreg s24  }
0xbf: {  	[dreg:$0x4] =	wrdreg $0x90000  }
0xc0: {  	[dreg:$0x5] =	wrdreg $0xA  }
0xc1: {  	_ =	task.clear_ibuf [dreg:s22], $0x6FFFF;
	_ =	strace $0x9000004C  }
0xc2: {  	s29 =	simm.s32 $0xA;
	_ =	strace $0x8000004E  }
0xc3: {  	_ =	swait.ge [sflag:s29], $0x1  }
0xc4: {  	[sflag:s29] =	ssyncadd.s32 $0xFFFFFFFF  }
0xc5: {  	_ =	strace $0x9000004E  }
0xc6: {  	_ =	sfence  }
0xc7: {  	s30 =	sld [smem:$0x0];
	_ =	sdelay $0x2  }
0xc8: {  	s31 =	sshll.u32 s1, $0xD;
	s1 =	sshrl.u32 s1, $0x2  }
0xc9: {  	s4 =	sand.u32 $0x4000, s31;
	s1 =	sadd.s32 s1, s30  }
0xca: {  	s0 =	sor.u32 s4, s0;
	s1 =	sshll.u32 s1, $0x11  }
0xcb: {  	s0 =	sor.u32 s1, s0  }
0xcc: {  	s0 =	sadd.s32 $0x8F2B, s0  }
0xcd: {  	[sflag:s0] =	ssyncadd.remote.s32 $0x1  }
0xce: {  	_ =	sfence.sel $0xFFFF  }
0xcf: {  	[dreg:$0x0] =	wrdreg $0xFFFFFFFF;
	(pc) =	sbr.abs _section_cstart, $3  }
0xd0: {  	[dreg:$0x1] =	wrdreg $0xFFFFFFFF  }
0xd1: {  	_ =	task.clear_ibuf [dreg:s22], $0x2FFFF;
	_ =	strace $0x9FFFFFFF  }
0xd2: {  	(tm) =	ssettm $0x7FFFFFFF  }
0xd3: {  	_ =	shalt  }
tec
execute0_lowered:
.L_overlay_start_1:
0x0: {  	(tag) =	ssettag $0x1  }
0x1: {  	s1 =	rddreg [dreg:$0x0]  }
0x2: {  	s0 =	srdreg.scid;
	s7 =	rddreg [dreg:$0x1]  }
0x3: {  	s3 =	rddreg [dreg:$0x2];
	s4 =	simm.s32 $0x0;
	s14 =	simm.s32 $0x80  }
0x4: {  	s15 =	simm.s32 $0x5000;
	s16 =	simm.s32 $0x1;
	s6 =	sand.u32 $0x1, s0  }
0x5: {  	s17 =	simm.s32 $0x0;
	s0 =	stileid.u32;
	s8 =	smul.u32 $0x140000, s6  }
0x6: {  	[smem:$0x7FF] =	sst s4;
	s2 =	sshll.u32 s6, $0x4;
	s9 =	smul.u32 $0x14000, s0  }
0x7: {  	s28 =	smul.u32 $0x50000, s0;
	s6 =	ssub.s32 $0x2, s6;
	s2 =	sor.u32 s0, s2  }
0x8: {  	s31 =	sshll.u32 s0, $0x6;
	s29 =	sshrl.u32 s6, $0x1;
	s5 =	smul.u32 $0x500, s2  }
0x9: {  	s2 =	rddreg [dreg:$0x3];
	_ =	strace $0x8000004D;
	s8 =	sadd.s32 s9, s8  }
0xa: {  	s30 =	sshrl.u32 s28, $0x2;
	s12 =	ssub.s32 s6, s29;
	s6 =	sor.u32 $0x1C02, s31  }
0xb: {  	s8 =	sshrl.u32 s8, $0x3;
	s13 =	sadd.s32 s30, s3;
	s10 =	sadd.s32 s5, s7  }
0xc: {  	s5 =	sadd.s32 $0x3E000, s7;
	s11 =	sadd.s32 s8, s7;
	s7 =	sadd.s32 $0x2E00, s10  }
0xd: {  	s8 =	sadd.s32 $0xCE00, s10;
	s9 =	sadd.s32 $0x40800, s11;
	s10 =	smax.u32 s12, $0x1  }
0xe: {  	s11 =	sshrl.u32 s13, $0x3;
	s12 =	simm.s32 $0x2;
	s13 =	simm.s32 $0x2800  }
.LBB2_1:
0xf: {  	[spmem:s11], [sflag:s6] =	dma.local [hbm:s5], $0x2800  }
0x10: {  	_ =	swait.ge [sflag:s12], $0x2800  }
0x11: {  	[sflag:s12] =	ssyncset.done $0x0  }
0x12: {  	[sflag:s12] =	ssyncadd.s32 $0xFFFFD800  }
0x13: {  	[bflag:$0x0] =	sbarrier.arrive $0xFFFF  }
0x14: {  	[tilespmem:s4], [sflag:$0x2] =	stream.linear.gather [hbm4b:s7+s4], $0x2780, $0x38;
	[tilespmem:$0x1D000] =	vst v63  }
0x15: {  	_ =	swait.ge [sflag:s12], $0x2780  }
0x16: {  	[sflag:s12] =	ssyncset.done $0x0  }
0x17: {  	[sflag:s12] =	ssyncadd.s32 $0xFFFFD880  }
0x18: {  	[tilespmem:s13], [sflag:$0x2] =	stream.linear.gather [hbm4b:s8+s4], $0x2780, $0x38;
	[tilespmem:$0x1D000] =	vst v63  }
0x19: {  	_ =	swait.ge [sflag:s12], $0x2780  }
0x1a: {  	[sflag:s12] =	ssyncset.done $0x0  }
0x1b: {  	s18 =	simm.s32 $0x0;
	[sflag:s12] =	ssyncadd.s32 $0xFFFFD880  }
0x1c: {  	[tilespmem:s15], [sflag:$0x1] =	stream.indirect.gather [hbm4b:s1+s14], $0x80, s18, s14, $0xb8;
	[tilespmem:$0x1D000] =	vst v63  }
0x1d: {  	_ =	swait.ge [sflag:s16], $0x4000  }
0x1e: {  	[sflag:s16] =	ssyncset.done $0x0  }
0x1f: {  	s31 =	simm.s32 $0x2800;
	[sflag:s16] =	ssyncadd.s32 $0xFFFFC000  }
0x20: {  	[spmem:s3] =	stream.indirect.scatter.add.f32 [tilespmem:s15], [sflag:$0x2], $0x80, s31, s14, $0xb8;
	[tilespmem:$0x1D000] =	vst v63  }
0x21: {  	_ =	swait.ge [sflag:s12], $0x4000  }
0x22: {  	s19 =	simm.s32 $0x400;
	s18 =	simm.s32 $0x200;
	[sflag:s12] =	ssyncset.done $0x0  }
.LBB2_2:
0x23: {  	s20 =	sshra.s32 s18, $0x2  }
0x24: {  	[sflag:s12] =	ssyncadd.s32 $0xFFFFC000;
	s18 =	smov.u32 s19;
	s21 =	sadd.s32 $0x200, s19  }
0x25: {  	[tilespmem:s15], [sflag:$0x1] =	stream.indirect.gather [hbm4b:s1+s14], $0x80, s20, s14, $0xb8;
	[tilespmem:$0x1D000] =	vst v63  }
0x26: {  	p0 =	sne.s32 s19, $0x9C00;
	_ =	swait.ge [sflag:s16], $0x4000  }
.Ltmp0:
0x27: {  	[sflag:s16] =	ssyncset.done $0x0;
	(pc) =	sbr.rel @p0 .LBB2_2-.Ltmp0, $4  }
0x28: {  	s19 =	sadd.s32 $0x2800, s20;
	[sflag:s16] =	ssyncadd.s32 $0xFFFFC000  }
0x29: {  	[spmem:s3] =	stream.indirect.scatter.add.f32 [tilespmem:s15], [sflag:$0x2], $0x80, s19, s14, $0xb8;
	[tilespmem:$0x1D000] =	vst v63  }
0x2a: {  	_ =	swait.ge [sflag:s12], $0x4000  }
0x2b: {  	s19 =	smov.u32 s21;
	[sflag:s12] =	ssyncset.done $0x0  }
0x2c: {  	s18 =	sshra.s32 s18, $0x2;
	[sflag:s12] =	ssyncadd.s32 $0xFFFFC000  }
0x2d: {  	[tilespmem:s15], [sflag:$0x1] =	stream.indirect.gather [hbm4b:s1+s14], $0x80, s18, s14, $0xb8;
	[tilespmem:$0x1D000] =	vst v63  }
0x2e: {  	_ =	swait.ge [sflag:s16], $0x4000  }
0x2f: {  	[sflag:s16] =	ssyncset.done $0x0  }
0x30: {  	s18 =	sadd.s32 $0x2800, s18;
	[sflag:s16] =	ssyncadd.s32 $0xFFFFC000  }
0x31: {  	[spmem:s3] =	stream.indirect.scatter.add.f32 [tilespmem:s15], [sflag:$0x2], $0x80, s18, s14, $0xb8;
	[tilespmem:$0x1D000] =	vst v63  }
0x32: {  	_ =	swait.ge [sflag:s12], $0x4000  }
0x33: {  	s17 =	sadd.s32 $0x1, s17;
	[sflag:s12] =	ssyncset.done $0x0  }
0x34: {  	p0 =	sne.s32 s17, s10;
	[sflag:s12] =	ssyncadd.s32 $0xFFFFC000  }
.Ltmp1:
0x35: {  	[bflag:$0x0] =	sbarrier.arrive $0xFFFF;
	(pc) =	sbr.rel @p0 .LBB2_1-.Ltmp1, $4  }
0x36: {  	[hbm:s9], [sflag:s6] =	dma.local [spmem:s11], $0x2800  }
0x37: {  	_ =	swait.ge [sflag:s12], $0x2800  }
0x38: {  	[sflag:s12] =	ssyncset.done $0x0  }
0x39: {  	[sflag:s12] =	ssyncadd.s32 $0xFFFFD800  }
0x3a: {  	_ =	sfence.sel $0x180000  }
0x3b: {  	[bflag:$0x0] =	sbarrier.arrive $0xFFFF  }
0x3c: {  	p0 =	sne.s32 s0, $0x0;
	_ =	strace $0x9000004D  }
0x3d: {  	s0 =	sadd.s32 @!p0 $0x100000, s2;
	[bflag:$0x2] =	sbarrier.arrive $0xFFFF  }
0x3e: {  	[sflag:s0] =	ssyncadd.tile.s32 @!p0 $0x1;
	_ =	shalt  }
.Lfunc_end2:
_tile_overlayer_lowered:
.L_overlay_start_2:
0x3f: {  	(tag) =	ssettag $0x2  }
0x40: {  	s0 =	rddreg [dreg:$0x0];
	s2 =	stileid.u32  }
0x41: {  	s1 =	rddreg [dreg:$0x1];
	p0 =	sne.s32 s2, $0x0  }
0x42: {  	s3 =	rddreg [dreg:$0x2];
	[bflag:$0x3] =	sbarrier.arrive $0xFFFF;
	s2 =	simm.s32 @!p0 $0x1C02  }
0x43: {  	[timem:s3], [sflag:s2] =	dma.local @!p0 [hbm:s0], s1  }
0x44: {  	s0 =	simm.s32 @!p0 $0x2  }
0x45: {  	_ =	swait.ge @!p0 [sflag:s0], s1  }
0x46: {  	s1 =	ssub.s32 @!p0 $0x0, s1;
	[sflag:s0] =	ssyncset.done @!p0 $0x0  }
0x47: {  	[sflag:s0] =	ssyncadd.s32 @!p0 s1  }
0x48: {  	[bflag:$0x3] =	sbarrier.arrive $0xFFFF  }
0x49: {  	_ =	shalt  }

// kernel: kernel.19.cloned.1.call-start
scs
__scs_entry_jumppad:
0x0: {  	(pc) =	sbr.rel $0x88, $3  }
0x1: {  	(tag) =	ssettag $0x0;
	lr =	simm.s32 $0x1  }
0x2: {  	[smem:$0x3F98] =	sst lr;
	_ =	strace $0xD0000000  }
0x3: {  	_ = 	snop  }
0x4: {  	_ = 	snop  }
0x5: {  	_ = 	snop  }
0x6: {  	_ = 	snop  }
0x7: {  	_ = 	snop  }
__scs_overlays_trampoline_lowered:
0x8: {  	[smem:$0x3FA7] =	sst s0  }
0x9: {  	[smem:$0x3FA8] =	sst s1  }
0xa: {  	[smem:$0x3FA9] =	sst s2  }
0xb: {  	[smem:$0x3FAA] =	sst s3  }
0xc: {  	[smem:$0x3FAB] =	sst s4  }
0xd: {  	[smem:$0x3FAC] =	sst s5  }
0xe: {  	[smem:$0x3FAD] =	sst s6  }
0xf: {  	[smem:$0x3FAE] =	sst s7  }
0x10: {  	[smem:$0x3FAF] =	sst s8  }
0x11: {  	[smem:$0x3FB0] =	sst s9;
	s0 =	simm.s32 @!p0 $0x0  }
0x12: {  	s1 =	sld [smem:$0x3F96];
	s0 =	simm.s32 @p0 $0x1  }
0x13: {  	[smem:$0x3FB1] =	sst s0;
	s0 =	simm.s32 @!p1 $0x0  }
0x14: {  	s2 =	sld [smem:$0x3F95];
	s0 =	simm.s32 @p1 $0x1  }
0x15: {  	[smem:$0x3FB2] =	sst s0;
	s0 =	simm.s32 @!p2 $0x0  }
0x16: {  	s3 =	sld [smem:$0x3FDB];
	s0 =	simm.s32 @p2 $0x1  }
0x17: {  	s4 =	simm.s32 $0x1BF5;
	[smem:$0x3FB4] =	sst s0  }
0x18: {  	s0 =	sld [smem:$0x3F97];
	_ =	swait.ge [sflag:s4], $0x0  }
0x19: {  	s7 =	sld [smem:$0x3F98]  }
0x1a: {  	s8 =	sadd.s32 $0xFFFFE003, lr  }
0x1b: {  	s9 =	sadd.s32 $0xFFFFFEF7, lr;
	s5 =	simm.s32 $0xFFFFFFFF;
	p2 =	slt.u32 s8, $0xFFFFF086  }
0x1c: {  	p1 =	slt.u32 s9, $0xF7A;
	s5 =	simm.s32 @!p2 $0x0  }
0x1d: {  	s5 =	simm.s32 @p1 $0x1;
	p0 =	seq.s32 s7, s2  }
0x1e: {  	s7 =	smul.u32 @!p0 $0xF7A, s2;
	p2 =	seq.s32 @!p0 s5, $0x0  }
0x1f: {  	s9 =	smul.u32 $0xF7A, s1;
	s8 =	simm.s32 @!p0 $0x1BF5;
	p2 =	por !p2, p0  }
0x20: {  	[sflag:s8] =	ssyncset.s32 @!p0 $0xFFFFF086;
	s6 =	sadd.s32 @!p0 s3, s7;
	s7 =	simm.s32 @!p0 $0x108  }
0x21: {  	s3 =	sadd.s32 s3, s9;
	s6 =	sadd.s32 @!p0 $0x88, s6;
	s7 =	simm.s32 @p2 $0x1082  }
0x22: {  	[simem:s7], [sflag:s8] =	dma.local @!p0 [hbm:s6], $0xF7A  }
0x23: {  	s9 =	sor.u32 $0xD0000000, s2;
	s6 =	simm.s32 $0x108;
	_ =	swait.ge @!p0 [sflag:s8], $0x0  }
0x24: {  	s3 =	sadd.s32 $0x88, s3;
	s6 =	simm.s32 @!p1 $0x1082;
	[sflag:s4] =	ssyncset.s32 $0xFFFFF086  }
0x25: {  	[simem:s6], [sflag:s4] =	dma.local [hbm:s3], $0xF7A  }
0x26: {  	[smem:$0x3F98] =	sst s1;
	(tag) =	ssettag s2;
	_ =	strace s9  }
0x27: {  	s1 =	sld [smem:$0x3FA8]  }
0x28: {  	s2 =	sld [smem:$0x3FA9]  }
0x29: {  	s4 =	sld [smem:$0x3FAB]  }
0x2a: {  	p0 =	seq.s32 s5, $0x0;
	s5 =	sld [smem:$0x3FAC]  }
0x2b: {  	s6 =	sld [smem:$0x3FAD]  }
0x2c: {  	s7 =	sld [smem:$0x3FAE]  }
0x2d: {  	s3 =	simm.s32 $0x108;
	s8 =	sld [smem:$0x3FAF]  }
0x2e: {  	s3 =	simm.s32 @!p0 $0x1082;
	s9 =	sld [smem:$0x3FB0]  }
0x2f: {  	lr =	sadd.s32 s0, s3;
	s0 =	sld [smem:$0x3FA7]  }
0x30: {  	s3 =	sld [smem:$0x3FAA]  }
0x31: {  	[smem:$0x3FB3] =	sst s10  }
0x32: {  	s10 =	sld [smem:$0x3FB1];
	_ =	sdelay $0x3  }
0x33: {  	p0 =	seq.s32 s10, $0x1;
	s10 =	sld [smem:$0x3FB3];
	_ =	sdelay $0x3  }
0x34: {  	[smem:$0x3FB3] =	sst s10  }
0x35: {  	s10 =	sld [smem:$0x3FB2];
	_ =	sdelay $0x3  }
0x36: {  	p1 =	seq.s32 s10, $0x1;
	s10 =	sld [smem:$0x3FB3];
	_ =	sdelay $0x3  }
0x37: {  	[smem:$0x3FB3] =	sst s10  }
0x38: {  	s10 =	sld [smem:$0x3FB4]  }
0x39: {  	_ = 	snop;
	(pc) =	sbr.ind lr, $3  }
0x3a: {  	_ = 	snop  }
0x3b: {  	_ = 	snop  }
0x3c: {  	p2 =	seq.s32 s10, $0x1;
	s10 =	sld [smem:$0x3FB3]  }
0x3d: {  	_ =	shalt  }
0x3e: {  	_ =	shalt  }
0x3f: {  	_ =	shalt  }
0x40: {  	_ =	shalt  }
0x41: {  	_ =	shalt  }
0x42: {  	_ =	shalt  }
0x43: {  	_ =	shalt  }
0x44: {  	_ =	shalt  }
0x45: {  	_ =	shalt  }
0x46: {  	_ =	shalt  }
0x47: {  	_ =	shalt  }
0x48: {  	_ =	shalt  }
0x49: {  	_ =	shalt  }
0x4a: {  	_ =	shalt  }
0x4b: {  	_ =	shalt  }
0x4c: {  	_ =	shalt  }
0x4d: {  	_ =	shalt  }
0x4e: {  	_ =	shalt  }
0x4f: {  	_ =	shalt  }
0x50: {  	_ =	shalt  }
0x51: {  	_ =	shalt  }
0x52: {  	_ =	shalt  }
0x53: {  	_ =	shalt  }
0x54: {  	_ =	shalt  }
0x55: {  	_ =	shalt  }
0x56: {  	_ =	shalt  }
0x57: {  	_ =	shalt  }
0x58: {  	_ =	shalt  }
0x59: {  	_ =	shalt  }
0x5a: {  	_ =	shalt  }
0x5b: {  	_ =	shalt  }
0x5c: {  	_ =	shalt  }
0x5d: {  	_ =	shalt  }
0x5e: {  	_ =	shalt  }
0x5f: {  	_ =	shalt  }
0x60: {  	_ =	shalt  }
0x61: {  	_ =	shalt  }
0x62: {  	_ =	shalt  }
0x63: {  	_ =	shalt  }
0x64: {  	_ =	shalt  }
0x65: {  	_ =	shalt  }
0x66: {  	_ =	shalt  }
0x67: {  	_ =	shalt  }
0x68: {  	_ =	shalt  }
0x69: {  	_ =	shalt  }
0x6a: {  	_ =	shalt  }
0x6b: {  	_ =	shalt  }
0x6c: {  	_ =	shalt  }
0x6d: {  	_ =	shalt  }
0x6e: {  	_ =	shalt  }
0x6f: {  	_ =	shalt  }
0x70: {  	_ =	shalt  }
0x71: {  	_ =	shalt  }
0x72: {  	_ =	shalt  }
0x73: {  	_ =	shalt  }
0x74: {  	_ =	shalt  }
0x75: {  	_ =	shalt  }
0x76: {  	_ =	shalt  }
0x77: {  	_ =	shalt  }
0x78: {  	_ =	shalt  }
0x79: {  	_ =	shalt  }
0x7a: {  	_ =	shalt  }
0x7b: {  	_ =	shalt  }
0x7c: {  	_ =	shalt  }
0x7d: {  	_ =	shalt  }
0x7e: {  	_ =	shalt  }
0x7f: {  	_ =	shalt  }
0x80: {  	_ =	shalt  }
0x81: {  	_ =	shalt  }
0x82: {  	_ =	shalt  }
0x83: {  	_ =	shalt  }
0x84: {  	_ =	shalt  }
0x85: {  	_ =	shalt  }
0x86: {  	_ =	shalt  }
0x87: {  	_ =	shalt  }
.Lfunc_end0:
.L_simem_size_0:
called_computation.3_lowered:
.L_overlay_start_0:
0x88: {  	s2 =	sld [smem:$0x3FD9]  }
0x89: {  	s3 =	sld [smem:$0x3FFE];
	_ =	sdelay $0x1  }
0x8a: {  	s1 =	srdreg.scid  }
0x8b: {  	s0 =	sand.u32 $0x1, s1  }
0x8c: {  	s17 =	sshll.u32 s0, $0xA;
	s2 =	sadd.s32 s3, s2  }
0x8d: {  	s2 =	sadd.s32 s2, s17  }
0x8e: {  	[smem:$0x3FBF] =	sst s2  }
0x8f: {  	_ = 	snop  }
0x90: {  	(tm) =	ssettm $0x1  }
0x91: {  	s18 =	sld [smem:$0x3FFB];
	_ =	sdelay $0x3  }
0x92: {  	_ =	strace s18  }
0x93: {  	s2 =	sld [smem:$0x3FFC];
	_ =	sdelay $0x3  }
0x94: {  	_ =	strace s2  }
0x95: {  	s2 =	sld [smem:$0x3FFD];
	_ =	sdelay $0x3  }
0x96: {  	_ =	strace s2  }
0x97: {  	_ =	strace $0x8FFFFFFF  }
0x98: {  	s19 =	sld [smem:$0x3FDB];
	_ =	sdelay $0x1  }
0x99: {  	s20 =	simm.s32 $_scs_section_size  }
0x9a: {  	s4 =	simm.s32 $_size__tile_overlayer_lowered;
	s5 =	simm.s32 $_tile_overlayer_lowered  }
0x9b: {  	s6 =	simm.s32 $0x1BFF;
	s21 =	sshll.u32 s5, $0x1;
	s3 =	sadd.s32 s20, s19  }
0x9c: {  	s22 =	simm.s32 $0x0;
	s4 =	sshll.u32 s4, $0x1;
	s5 =	sadd.s32 s21, s3  }
0x9d: {  	[timem:s22], [sflag:s6] =	dma.local [hbm:s5], s4  }
0x9e: {  	_ =	swait.ge [sflag:s6], s4  }
0x9f: {  	s4 =	ssub.s32 $0x0, s4;
	[sflag:s6] =	ssyncset.done $0x0  }
0xa0: {  	[sflag:s6] =	ssyncadd.s32 s4;
	_ =	sdelay $0x1  }
0xa1: {  	s23 =	simm.s32 $0x1B8B  }
0xa2: {  	_ =	swait.ge [sflag:s23], $0x1  }
0xa3: {  	[sflag:s23] =	ssyncset.done $0x0  }
0xa4: {  	[sflag:s23] =	ssyncadd.s32 $0xFFFFFFFF  }
0xa5: {  	s4 =	sld [smem:$0x0]  }
0xa6: {  	s5 =	sand.u32 $0xFFFFFFFE, s1  }
0xa7: {  	p0 =	sne.s32 s1, s5  }
0xa8: {  	s5 =	sshll.u32 @p0 s5, $0xE  }
0xa9: {  	s5 =	sadd.s32 @p0 $0x11B8D, s5;
	s6 =	sshll.u32 @p0 s4, $0x11  }
0xaa: {  	s5 =	sor.u32 @p0 s6, s5  }
0xab: {  	[sflag:s5] =	ssyncadd.remote.s32 @p0 $0x1;
	_ =	sdelay $0x1  }
0xac: {  	s5 =	simm.s32 @p0 $0x1B8D  }
0xad: {  	_ =	swait.eq @p0 [sflag:s5], $0x1  }
0xae: {  	[sflag:s5] =	ssyncadd.s32 @p0 $0xFFFFFFFF  }
0xaf: {  	s6 =	sshll.u32 @!p0 s1, $0xE  }
0xb0: {  	s6 =	sor.u32 @!p0 $0x4000, s6;
	s5 =	simm.s32 @!p0 $0x1B8D  }
0xb1: {  	s4 =	sshll.u32 @!p0 s4, $0x11;
	s6 =	sadd.s32 @!p0 $0x11B8D, s6;
	_ =	swait.eq @!p0 [sflag:s5], $0x1  }
0xb2: {  	s4 =	sor.u32 @!p0 s4, s6;
	[sflag:s5] =	ssyncadd.s32 @!p0 $0xFFFFFFFF  }
0xb3: {  	s25 =	simm.s32 $0x1B8E;
	s24 =	sld [smem:$0x3FFE];
	[sflag:s4] =	ssyncadd.remote.s32 @!p0 $0x1  }
0xb4: {  	s26 =	simm.s32 $execute0_lowered;
	[smem:$0x3FD2] =	sst s25  }
0xb5: {  	s5 =	sshll.u32 s26, $0x1;
	_ =	strace $0x8000004F;
	[dreg:$0x1] =	wrdreg $0xFFFFFFFF  }
0xb6: {  	s28 =	simm.s32 $_size_execute0_lowered;
	s3 =	sadd.s32 s3, s5;
	[dreg:$0x0] =	wrdreg $0x0  }
0xb7: {  	s5 =	sshll.u32 s28, $0x1;
	[dreg:$0x2] =	wrdreg s3  }
0xb8: {  	[dreg:$0x3] =	wrdreg s5  }
0xb9: {  	[dreg:$0x4] =	wrdreg $0xC0  }
0xba: {  	_ =	task [dreg:s22], $0x5FFFF  }
0xbb: {  	[dreg:$0x1] =	wrdreg $0xFFFFFFFF  }
0xbc: {  	[dreg:$0x0] =	wrdreg $0x60  }
0xbd: {  	[dreg:$0x2] =	wrdreg s24  }
0xbe: {  	[dreg:$0x3] =	wrdreg $0x90000  }
0xbf: {  	[dreg:$0x4] =	wrdreg $0x9  }
0xc0: {  	_ =	task.clear_ibuf [dreg:s22], $0x5FFFF;
	_ =	strace $0x9000004F  }
0xc1: {  	s29 =	simm.s32 $0x9;
	_ =	strace $0x80000051  }
0xc2: {  	_ =	swait.ge [sflag:s29], $0x1  }
0xc3: {  	[sflag:s29] =	ssyncadd.s32 $0xFFFFFFFF  }
0xc4: {  	_ =	strace $0x90000051  }
0xc5: {  	_ =	sfence  }
0xc6: {  	s30 =	sld [smem:$0x0];
	_ =	sdelay $0x2  }
0xc7: {  	s31 =	sshll.u32 s1, $0xD;
	s1 =	sshrl.u32 s1, $0x2  }
0xc8: {  	s4 =	sand.u32 $0x4000, s31;
	s1 =	sadd.s32 s1, s30  }
0xc9: {  	s0 =	sor.u32 s4, s0;
	s1 =	sshll.u32 s1, $0x11  }
0xca: {  	s0 =	sor.u32 s1, s0  }
0xcb: {  	s0 =	sadd.s32 $0x8F2B, s0  }
0xcc: {  	[sflag:s0] =	ssyncadd.remote.s32 $0x1  }
0xcd: {  	_ =	sfence.sel $0xFFFF  }
0xce: {  	[dreg:$0x0] =	wrdreg $0xFFFFFFFF;
	(pc) =	sbr.abs _section_cstart, $3  }
0xcf: {  	[dreg:$0x1] =	wrdreg $0xFFFFFFFF  }
0xd0: {  	_ =	task.clear_ibuf [dreg:s22], $0x2FFFF;
	_ =	strace $0x9FFFFFFF  }
0xd1: {  	(tm) =	ssettm $0x7FFFFFFF  }
tec
execute0_lowered:
.L_overlay_start_1:
0x0: {  	(tag) =	ssettag $0x1  }
0x1: {  	s7 =	rddreg [dreg:$0x0]  }
0x2: {  	s0 =	srdreg.scid;
	s2 =	rddreg [dreg:$0x1]  }
0x3: {  	s3 =	simm.s32 $0x0;
	s14 =	simm.s32 $0x80;
	s15 =	simm.s32 $0x5000  }
0x4: {  	s16 =	simm.s32 $0x1;
	s6 =	sand.u32 $0x1, s0;
	s0 =	stileid.u32  }
0x5: {  	s17 =	simm.s32 $0x0;
	[smem:$0x7FF] =	sst s3;
	s8 =	smul.u32 $0x140000, s6  }
0x6: {  	s4 =	sadd.s32 $0x338800, s7;
	s1 =	sshll.u32 s6, $0x4;
	s9 =	smul.u32 $0x14000, s0  }
0x7: {  	s6 =	ssub.s32 $0x2, s6;
	s28 =	smul.u32 $0x50000, s0;
	s1 =	sor.u32 s0, s1  }
0x8: {  	s30 =	sshll.u32 s0, $0x6;
	s29 =	sshrl.u32 s6, $0x1;
	s5 =	smul.u32 $0x500, s1  }
0x9: {  	s1 =	rddreg [dreg:$0x2];
	_ =	strace $0x80000050;
	s8 =	sadd.s32 s9, s8  }
0xa: {  	s12 =	ssub.s32 s6, s29;
	s31 =	sshrl.u32 s28, $0x2;
	s6 =	sor.u32 $0x1C02, s30  }
0xb: {  	s8 =	sshrl.u32 s8, $0x3;
	s13 =	sadd.s32 s31, s2;
	s10 =	sadd.s32 s5, s7  }
0xc: {  	s5 =	sadd.s32 $0x3E000, s7;
	s11 =	sadd.s32 s8, s7;
	s7 =	sadd.s32 $0x324800, s10  }
0xd: {  	s8 =	sadd.s32 $0x32E800, s10;
	s9 =	sadd.s32 $0x90800, s11;
	s10 =	smax.u32 s12, $0x1  }
0xe: {  	s11 =	sshrl.u32 s13, $0x3;
	s12 =	simm.s32 $0x2;
	s13 =	simm.s32 $0x2800  }
.LBB2_1:
0xf: {  	[spmem:s11], [sflag:s6] =	dma.local [hbm:s5], $0x2800  }
0x10: {  	_ =	swait.ge [sflag:s12], $0x2800  }
0x11: {  	[sflag:s12] =	ssyncset.done $0x0  }
0x12: {  	[sflag:s12] =	ssyncadd.s32 $0xFFFFD800  }
0x13: {  	[bflag:$0x0] =	sbarrier.arrive $0xFFFF  }
0x14: {  	[tilespmem:s3], [sflag:$0x2] =	stream.linear.gather [hbm4b:s7+s3], $0x2780, $0x38;
	[tilespmem:$0x1D000] =	vst v63  }
0x15: {  	_ =	swait.ge [sflag:s12], $0x2780  }
0x16: {  	[sflag:s12] =	ssyncset.done $0x0  }
0x17: {  	[sflag:s12] =	ssyncadd.s32 $0xFFFFD880  }
0x18: {  	[tilespmem:s13], [sflag:$0x2] =	stream.linear.gather [hbm4b:s8+s3], $0x2780, $0x38;
	[tilespmem:$0x1D000] =	vst v63  }
0x19: {  	_ =	swait.ge [sflag:s12], $0x2780  }
0x1a: {  	[sflag:s12] =	ssyncset.done $0x0  }
0x1b: {  	s18 =	simm.s32 $0x0;
	[sflag:s12] =	ssyncadd.s32 $0xFFFFD880  }
0x1c: {  	[tilespmem:s15], [sflag:$0x1] =	stream.indirect.gather [hbm4b:s4+s14], $0x80, s18, s14, $0xb8;
	[tilespmem:$0x1D000] =	vst v63  }
0x1d: {  	_ =	swait.ge [sflag:s16], $0x4000  }
0x1e: {  	[sflag:s16] =	ssyncset.done $0x0  }
0x1f: {  	s31 =	simm.s32 $0x2800;
	[sflag:s16] =	ssyncadd.s32 $0xFFFFC000  }
0x20: {  	[spmem:s2] =	stream.indirect.scatter.add.f32 [tilespmem:s15], [sflag:$0x2], $0x80, s31, s14, $0xb8;
	[tilespmem:$0x1D000] =	vst v63  }
0x21: {  	_ =	swait.ge [sflag:s12], $0x4000  }
0x22: {  	s19 =	simm.s32 $0x400;
	s18 =	simm.s32 $0x200;
	[sflag:s12] =	ssyncset.done $0x0  }
.LBB2_2:
0x23: {  	s20 =	sshra.s32 s18, $0x2  }
0x24: {  	[sflag:s12] =	ssyncadd.s32 $0xFFFFC000;
	s18 =	smov.u32 s19;
	s21 =	sadd.s32 $0x200, s19  }
0x25: {  	[tilespmem:s15], [sflag:$0x1] =	stream.indirect.gather [hbm4b:s4+s14], $0x80, s20, s14, $0xb8;
	[tilespmem:$0x1D000] =	vst v63  }
0x26: {  	p0 =	sne.s32 s19, $0x9C00;
	_ =	swait.ge [sflag:s16], $0x4000  }
.Ltmp0:
0x27: {  	[sflag:s16] =	ssyncset.done $0x0;
	(pc) =	sbr.rel @p0 .LBB2_2-.Ltmp0, $4  }
0x28: {  	s19 =	sadd.s32 $0x2800, s20;
	[sflag:s16] =	ssyncadd.s32 $0xFFFFC000  }
0x29: {  	[spmem:s2] =	stream.indirect.scatter.add.f32 [tilespmem:s15], [sflag:$0x2], $0x80, s19, s14, $0xb8;
	[tilespmem:$0x1D000] =	vst v63  }
0x2a: {  	_ =	swait.ge [sflag:s12], $0x4000  }
0x2b: {  	s19 =	smov.u32 s21;
	[sflag:s12] =	ssyncset.done $0x0  }
0x2c: {  	s18 =	sshra.s32 s18, $0x2;
	[sflag:s12] =	ssyncadd.s32 $0xFFFFC000  }
0x2d: {  	[tilespmem:s15], [sflag:$0x1] =	stream.indirect.gather [hbm4b:s4+s14], $0x80, s18, s14, $0xb8;
	[tilespmem:$0x1D000] =	vst v63  }
0x2e: {  	_ =	swait.ge [sflag:s16], $0x4000  }
0x2f: {  	[sflag:s16] =	ssyncset.done $0x0  }
0x30: {  	s18 =	sadd.s32 $0x2800, s18;
	[sflag:s16] =	ssyncadd.s32 $0xFFFFC000  }
0x31: {  	[spmem:s2] =	stream.indirect.scatter.add.f32 [tilespmem:s15], [sflag:$0x2], $0x80, s18, s14, $0xb8;
	[tilespmem:$0x1D000] =	vst v63  }
0x32: {  	_ =	swait.ge [sflag:s12], $0x4000  }
0x33: {  	s17 =	sadd.s32 $0x1, s17;
	[sflag:s12] =	ssyncset.done $0x0  }
0x34: {  	p0 =	sne.s32 s17, s10;
	[sflag:s12] =	ssyncadd.s32 $0xFFFFC000  }
.Ltmp1:
0x35: {  	[bflag:$0x0] =	sbarrier.arrive $0xFFFF;
	(pc) =	sbr.rel @p0 .LBB2_1-.Ltmp1, $4  }
0x36: {  	[hbm:s9], [sflag:s6] =	dma.local [spmem:s11], $0x2800  }
0x37: {  	_ =	swait.ge [sflag:s12], $0x2800  }
0x38: {  	[sflag:s12] =	ssyncset.done $0x0  }
0x39: {  	[sflag:s12] =	ssyncadd.s32 $0xFFFFD800  }
0x3a: {  	_ =	sfence.sel $0x180000  }
0x3b: {  	[bflag:$0x0] =	sbarrier.arrive $0xFFFF  }
0x3c: {  	p0 =	sne.s32 s0, $0x0;
	_ =	strace $0x90000050  }
0x3d: {  	s0 =	sadd.s32 @!p0 $0x100000, s1;
	[bflag:$0x2] =	sbarrier.arrive $0xFFFF  }
0x3e: {  	[sflag:s0] =	ssyncadd.tile.s32 @!p0 $0x1;
	_ =	shalt  }
.Lfunc_end2:
_tile_overlayer_lowered:
.L_overlay_start_2:
0x3f: {  	(tag) =	ssettag $0x2  }
0x40: {  	s0 =	rddreg [dreg:$0x0];
	s2 =	stileid.u32  }
0x41: {  	s1 =	rddreg [dreg:$0x1];
	p0 =	sne.s32 s2, $0x0  }
0x42: {  	s3 =	rddreg [dreg:$0x2];
	[bflag:$0x3] =	sbarrier.arrive $0xFFFF;
	s2 =	simm.s32 @!p0 $0x1C02  }
0x43: {  	[timem:s3], [sflag:s2] =	dma.local @!p0 [hbm:s0], s1  }
0x44: {  	s0 =	simm.s32 @!p0 $0x2  }
0x45: {  	_ =	swait.ge @!p0 [sflag:s0], s1  }
0x46: {  	s1 =	ssub.s32 @!p0 $0x0, s1;
	[sflag:s0] =	ssyncset.done @!p0 $0x0  }
0x47: {  	[sflag:s0] =	ssyncadd.s32 @!p0 s1  }
0x48: {  	[bflag:$0x3] =	sbarrier.arrive $0xFFFF  }
0x49: {  	_ =	shalt  }

</sc_bundles>
